<compile_context>
chip_gen: v7x
topology: tpu7x:2x2x1
jax: 0.10.2.dev20260603
libtpu: 0.0.44.dev20260713+nightly
codegen_flags: <defaults>
</compile_context>

<pallas_src>
import functools

import jax
import jax.numpy as jnp
from jax import lax
from jax.experimental import pallas as pl
from jax.experimental.pallas import tpu as pltpu
from jax.experimental.pallas import tpu_sc as plsc

VOCAB = 100000
D = 64
B = 4096
H = 200
W = D // 2

NC = 2
NS = 16
NW = NC * NS
BPW = B // NW
SPLIT_A = 104
SPLIT_B = H - SPLIT_A
NBUF = 8
UNROLL = 4

CH = 128
NFULL = VOCAB // CH
TAIL = VOCAB - NFULL * CH


NBUFC = 3


def _conv_sc(tblT_hbm, xT_hbm, tblw_hbm, idx_hbm,
             colbuf0, colbuf1, colbuf2, tailbuf,
             wordbuf0, wordbuf1, wordbuf2, skewbuf, xbuf, xout,
             sin, sout, sx):
    wid = lax.axis_index("s") * NC + lax.axis_index("c")
    iota = lax.iota(jnp.int32, 16)
    colbufs = (colbuf0, colbuf1, colbuf2)
    wordbufs = (wordbuf0, wordbuf1, wordbuf2)

    nt = jnp.where(wid < 13, 25, 24)

    def start_in(g, b):
        pltpu.async_copy(tblT_hbm.at[:, pl.ds(g * CH, CH)],
                         colbufs[b], sin.at[b])

    def wait_in(g, b):
        pltpu.make_async_copy(tblT_hbm.at[:, pl.ds(g * CH, CH)],
                              colbufs[b], sin.at[b]).wait()

    def start_out(g, b):
        pltpu.async_copy(wordbufs[b],
                         tblw_hbm.at[pl.ds(g * (CH * W), CH * W)],
                         sout.at[b])

    def wait_out(g, b):
        pltpu.make_async_copy(wordbufs[b],
                              tblw_hbm.at[pl.ds(g * (CH * W), CH * W)],
                              sout.at[b]).wait()

    xin = pltpu.async_copy(xT_hbm.at[:, pl.ds(wid * BPW, BPW)], xbuf, sx)
    for b in range(NBUFC):
        start_in(wid + 32 * b, b)
    xin.wait()
    @plsc.parallel_loop(0, H * (BPW // 16), unroll=4)
    def jbody(it):
        j = lax.shift_right_logical(it, 3)
        i16 = it & 7
        v = xbuf[j, pl.ds(i16 * 16, 16)]
        plsc.store_scatter(xout, [(iota + i16 * 16) * H + j], v)
    xo = pltpu.async_copy(xout, idx_hbm.at[pl.ds(wid * BPW * H, BPW * H)], sx)

    def bf16_word(a, bb):
        ai = plsc.bitcast(a, jnp.int32)
        bi = plsc.bitcast(bb, jnp.int32)
        ra = ai + (0x7FFF + (lax.shift_right_logical(ai, 16) & 1))
        rb = bi + (0x7FFF + (lax.shift_right_logical(bi, 16) & 1))
        return lax.shift_right_logical(ra, 16) | (rb & jnp.int32(-65536))

    SKEW = W + 1

    def compute_chunk(buf, wbuf, skew, ncols):
        def j0body(j0, carry, buf=buf, skew=skew):
            off = j0 * 16
            addr_base = (iota + off) * SKEW

            @plsc.parallel_loop(0, W, unroll=4)
            def kbody(k, buf=buf, skew=skew, off=off, addr_base=addr_base):
                a = buf[2 * k, pl.ds(off, 16)]
                bb = buf[2 * k + 1, pl.ds(off, 16)]
                plsc.store_scatter(skew, [addr_base + k], bf16_word(a, bb))

            return carry

        lax.fori_loop(0, ncols // 16, j0body, 0)

        @plsc.parallel_loop(0, ncols, unroll=4)
        def vbody(v, wbuf=wbuf, skew=skew):
            lo = plsc.load_gather(skew, [v * SKEW + iota])
            hi = plsc.load_gather(skew, [v * SKEW + 16 + iota])
            wbuf[pl.ds(v * W, 16)] = lo
            wbuf[pl.ds(v * W + 16, 16)] = hi

    def tbody(t0, carry):
        for b in range(NBUFC):
            t = t0 * NBUFC + b
            g = wid + 32 * t

            @pl.when(t < nt)
            def _(t=t, g=g, b=b):
                wait_in(g, b)

                @pl.when(t >= NBUFC)
                def _():
                    wait_out(g - 32 * NBUFC, b)

                compute_chunk(colbufs[b], wordbufs[b], skewbuf, CH)
                start_out(g, b)

                @pl.when(t + NBUFC < nt)
                def _():
                    start_in(g + 32 * NBUFC, b)

        return carry

    lax.fori_loop(0, (25 + NBUFC - 1) // NBUFC, tbody, 0)

    for b in range(NBUFC):
        t_last = nt - 1 - lax.rem(nt - 1 - b, NBUFC)
        wait_out(wid + 32 * t_last, b)

    @pl.when(wid == 13)
    def _():
        pltpu.sync_copy(tblT_hbm.at[:, pl.ds(NFULL * CH, TAIL)], tailbuf)
        compute_chunk(tailbuf, wordbuf0, skewbuf, TAIL)
        pltpu.sync_copy(wordbuf0.at[pl.ds(0, TAIL * W)],
                        tblw_hbm.at[pl.ds(NFULL * (CH * W), TAIL * W)])

    xo.wait()


@jax.jit
def _conv(tblT, xT):
    mesh = plsc.VectorSubcoreMesh(core_axis_name="c", subcore_axis_name="s")
    f = pl.kernel(
        _conv_sc,
        mesh=mesh,
        out_type=(
            jax.ShapeDtypeStruct((VOCAB * W,), jnp.int32),
            jax.ShapeDtypeStruct((B * H,), jnp.int32),
        ),
        scratch_types=[
            pltpu.VMEM((D, CH), jnp.float32),
            pltpu.VMEM((D, CH), jnp.float32),
            pltpu.VMEM((D, CH), jnp.float32),
            pltpu.VMEM((D, TAIL), jnp.float32),
            pltpu.VMEM((CH * W,), jnp.int32),
            pltpu.VMEM((CH * W,), jnp.int32),
            pltpu.VMEM((CH * W,), jnp.int32),
            pltpu.VMEM((CH * (W + 1),), jnp.int32),
            pltpu.VMEM((H, BPW), jnp.int32),
            pltpu.VMEM((BPW * H,), jnp.int32),
            pltpu.SemaphoreType.DMA((NBUFC,)),
            pltpu.SemaphoreType.DMA((NBUFC,)),
            pltpu.SemaphoreType.DMA,
        ],
        compiler_params=pltpu.CompilerParams(use_tc_tiling_on_sc=True,
                                             needs_layout_passes=False,
                                             disable_bounds_checks=True),
    )
    return f(tblT, xT)


def _pool_sc(x_hbm, tbl_hbm, out_hbm, idx_v, rows_v, t_v, sems):
    wid = lax.axis_index("s") * NC + lax.axis_index("c")
    base = wid * BPW

    pltpu.sync_copy(x_hbm.at[pl.ds(base * H, BPW * H)], idx_v)

    def idx_view(i, lo, n):
        return idx_v.at[pl.ds(i * H + lo, n)]

    def start(i, b):
        pltpu.async_copy(tbl_hbm.at[idx_view(i, 0, SPLIT_A)],
                         rows_v.at[b, pl.ds(0, SPLIT_A), :], sems.at[b])
        pltpu.async_copy(tbl_hbm.at[idx_view(i, SPLIT_A, SPLIT_B)],
                         rows_v.at[b, pl.ds(SPLIT_A, SPLIT_B), :], sems.at[b])

    def wait(i, b):
        pltpu.make_async_copy(tbl_hbm.at[idx_view(i, 0, SPLIT_A)],
                              rows_v.at[b, pl.ds(0, SPLIT_A), :],
                              sems.at[b]).wait()
        pltpu.make_async_copy(tbl_hbm.at[idx_view(i, SPLIT_A, SPLIT_B)],
                              rows_v.at[b, pl.ds(SPLIT_A, SPLIT_B), :],
                              sems.at[b]).wait()

    for b in range(NBUF):
        start(b, b)

    zero = jnp.zeros((16,), jnp.float32)
    scale = jnp.float32(1.0 / H)

    def outer(i0, carry):
        for b in range(NBUF):
            i = i0 * NBUF + b
            wait(i, b)

            @plsc.parallel_loop(0, H // UNROLL, unroll=2,
                                carry=(zero,) * 8)
            def rbody(r, acc, b=b):
                acc = list(acc)
                for u in range(UNROLL):
                    row = r * UNROLL + u
                    bank = 4 * (u % 2)
                    for c2 in range(2):
                        words = rows_v[b, row, pl.ds(c2 * 16, 16)]
                        packed = plsc.bitcast(words, jnp.bfloat16)
                        ea, eb = plsc.unpack(
                            packed, format=plsc.PackFormat.INTERLEAVED)
                        acc[bank + c2 * 2] = acc[bank + c2 * 2] + ea
                        acc[bank + c2 * 2 + 1] = acc[bank + c2 * 2 + 1] + eb
                return tuple(acc)

            acc = [rbody[q] + rbody[4 + q] for q in range(4)]

            @pl.when(i + NBUF < BPW)
            def _():
                start(i + NBUF, b)

            for c2 in range(2):
                t_v[i, pl.ds(c2 * 32, 16)] = acc[c2 * 2] * scale
                t_v[i, pl.ds(c2 * 32 + 16, 16)] = acc[c2 * 2 + 1] * scale
        return carry

    lax.fori_loop(0, BPW // NBUF, outer, 0)

    pltpu.sync_copy(t_v, out_hbm.at[pl.ds(base, BPW), pl.ds(0, D)])


@jax.jit
def _pool(idx_flat, tblw):
    mesh = plsc.VectorSubcoreMesh(core_axis_name="c", subcore_axis_name="s")
    f = pl.kernel(
        _pool_sc,
        mesh=mesh,
        out_type=jax.ShapeDtypeStruct((B, 2 * D), jnp.float32),
        scratch_types=[
            pltpu.VMEM((BPW * H,), jnp.int32),
            pltpu.VMEM((NBUF, H, W), jnp.int32),
            pltpu.VMEM((BPW, D), jnp.float32),
            pltpu.SemaphoreType.DMA((NBUF,)),
        ],
        compiler_params=pltpu.CompilerParams(use_tc_tiling_on_sc=False,
                                             needs_layout_passes=False,
                                             disable_bounds_checks=True),
    )
    return f(idx_flat, tblw)


def _head_tc(t_ref, bio_ref, wb_ref, bb_ref, wh_ref, bh_ref,
             logits_ref, am_ref):
    stored = t_ref[...][:, :D]
    s = lax.broadcasted_iota(jnp.int32, (D, D), 0)
    o = lax.broadcasted_iota(jnp.int32, (D, D), 1)
    orig = 32 * (s // 32) + 2 * (s % 16) + (s % 32) // 16
    perm = (orig == o).astype(jnp.float32)
    t = jnp.dot(stored, perm, preferred_element_type=jnp.float32)
    b = jnp.dot(bio_ref[...], wb_ref[...],
                preferred_element_type=jnp.float32) + bb_ref[...]
    attn = jax.nn.sigmoid(jnp.sum(t * b, axis=-1, keepdims=True))
    fused = t * attn + b * (1.0 - attn)
    logits_ref[...] = jnp.dot(fused, wh_ref[...],
                              preferred_element_type=jnp.float32) + bh_ref[...]
    am_ref[...] = jnp.mean(attn).reshape(1, 1)


def kernel(x, bio_features, emb_table, W_bio, b_bio, W_head, b_head):
    tblw, idx_flat = _conv(emb_table.T, x.T)
    t = _pool(idx_flat, tblw.reshape(VOCAB, W))
    logits, am = pl.pallas_call(
        _head_tc,
        out_shape=(
            jax.ShapeDtypeStruct((B, 2), jnp.float32),
            jax.ShapeDtypeStruct((1, 1), jnp.float32),
        ),
    )(t, bio_features, W_bio, b_bio.reshape(1, D), W_head,
      b_head.reshape(1, 2))
    return (logits, am[0, 0])

# --- scband reference (transcript-rebuilt; emitter-appended) ---
"""Pipeline reference for scband-veritas-voight-kampff-13460427506076 (READ-ONLY COPY).

The authoritative reference and input builder live on the scoring server;
editing this copy changes nothing except your own understanding.
"""

import jax, jax.numpy as jnp
import numpy as np

VOCAB = 100000
D_MODEL = 64
BATCH = 4096
HIST = 200


def setup_inputs(seed: int = 0) -> dict:
    key = jax.random.key(seed)
    k1, k2, k3, k4, k5 = jax.random.split(key, 5)
    x = jax.random.randint(k1, (BATCH, HIST), 0, VOCAB, dtype=jnp.int64 if jax.config.jax_enable_x64 else jnp.int32).astype(jnp.int32)
    bio_features = jax.random.normal(k2, (BATCH, 5), dtype=jnp.float32)
    emb_table = jax.random.normal(k3, (VOCAB, D_MODEL), dtype=jnp.float32) * 0.02
    W_bio = jax.random.normal(k4, (5, D_MODEL), dtype=jnp.float32) * 0.1
    b_bio = jnp.zeros((D_MODEL,), dtype=jnp.float32)
    W_head = jax.random.normal(k5, (D_MODEL, 2), dtype=jnp.float32) * 0.1
    b_head = jnp.zeros((2,), dtype=jnp.float32)
    return {
        "x": x,
        "bio_features": bio_features,
        "emb_table": emb_table,
        "W_bio": W_bio,
        "b_bio": b_bio,
        "W_head": W_head,
        "b_head": b_head,
    }


def reference(x, bio_features, emb_table, W_bio, b_bio, W_head, b_head):
    # t = self.text_emb(x).mean(dim=1)
    t = jnp.take(emb_table, x, axis=0).mean(axis=1)
    # b = self.bio_proj(bio_features)
    b = bio_features @ W_bio + b_bio
    # attn = sigmoid((t * b).sum(-1, keepdim=True))
    attn = jax.nn.sigmoid(jnp.sum(t * b, axis=-1, keepdims=True))
    fused = t * attn + b * (1.0 - attn)
    logits = fused @ W_head + b_head
    return (logits, attn.mean())

if __name__ == "__main__":
    import jax
    _d = setup_inputs()
    print(jax.jit(kernel)(*tuple(_d.values())))

</pallas_src>

<mosaic_0001>
#map = affine_map<(d0, d1) -> (0, 0)>
#map1 = affine_map<(d0, d1) -> (0)>
module attributes {stable_mosaic.version = 14 : i64} {
  func.func @_conv_sc(%arg0: i32, %arg1: i32, %arg2: memref<64x100000xf32, #tpu.memory_space<hbm>>, %arg3: memref<200x4096xi32, #tpu.memory_space<hbm>>, %arg4: memref<3200000xi32, #tpu.memory_space<hbm>>, %arg5: memref<819200xi32, #tpu.memory_space<hbm>>, %arg6: memref<64x128xf32, #tpu.memory_space<vmem>>, %arg7: memref<64x128xf32, #tpu.memory_space<vmem>>, %arg8: memref<64x128xf32, #tpu.memory_space<vmem>>, %arg9: memref<64x32xf32, #tpu.memory_space<vmem>>, %arg10: memref<4096xi32, #tpu.memory_space<vmem>>, %arg11: memref<4096xi32, #tpu.memory_space<vmem>>, %arg12: memref<4096xi32, #tpu.memory_space<vmem>>, %arg13: memref<4224xi32, #tpu.memory_space<vmem>>, %arg14: memref<200x128xi32, #tpu.memory_space<vmem>>, %arg15: memref<25600xi32, #tpu.memory_space<vmem>>, %arg16: memref<3x!tpu.dma_semaphore, #tpu.memory_space<semaphore_mem>>, %arg17: memref<3x!tpu.dma_semaphore, #tpu.memory_space<semaphore_mem>>, %arg18: memref<!tpu.dma_semaphore, #tpu.memory_space<semaphore_mem>>) attributes {dimension_semantics = [#tpu.dimension_semantics<core_parallel>, #tpu.dimension_semantics<subcore_parallel>], iteration_bounds = array<i64: 2, 16>, scalar_prefetch = 0 : i64, scratch_operands = 13 : i64, tpu.core_type = #tpu.core_type<sc_vector_subcore>, window_params = [{transform_indices = #map}, {transform_indices = #map}, {transform_indices = #map1}, {transform_indices = #map1}]} {
    %mul3A = arith.constant 2 : i32
    %mul3A_0 = arith.muli %arg1, %mul3A : i32
    %add3A = arith.addi %mul3A_0, %arg0 : i32
    %iota3A = tpu.iota {dimensions = array<i32: 0>} : vector<16xi32>
    %lt3A = arith.constant 13 : i32
    %lt3A_1 = arith.cmpi slt, %add3A, %lt3A : i32
    %jit3A = arith.constant 25 : i32
    %jit3A_2 = arith.constant 24 : i32
    %select_n3A = arith.select %lt3A_1, %jit3A, %jit3A_2 : i32
    %mul3A_3 = arith.constant 128 : i32
    %mul3A_4 = arith.muli %add3A, %mul3A_3 : i32
    %dma_start3A = arith.constant 0 : i32
    %dma_start3A_5 = tpu.memref_slice %arg3[%dma_start3A, %mul3A_4] : memref<200x4096xi32, #tpu.memory_space<hbm>> -> memref<200x128xi32, #tpu.memory_space<hbm>>
    %dma_start3A_6 = arith.constant 0 : i32
    %dma_start3A_7 = tpu.memref_slice %arg3[%dma_start3A_6, %mul3A_4] : memref<200x4096xi32, #tpu.memory_space<hbm>> -> memref<200x128xi32, #tpu.memory_space<hbm>>
    tpu.enqueue_dma source(%dma_start3A_7 : memref<200x128xi32, #tpu.memory_space<hbm>>) target(%arg14 : memref<200x128xi32, #tpu.memory_space<vmem>>) target_semaphore(%arg18 : memref<!tpu.dma_semaphore, #tpu.memory_space<semaphore_mem>>)
    %add3A_8 = arith.constant 0 : i32
    %add3A_9 = arith.addi %add3A, %add3A_8 : i32
    %mul3A_10 = arith.constant 128 : i32
    %mul3A_11 = arith.muli %add3A_9, %mul3A_10 : i32
    %dma_start3A_12 = arith.constant 0 : i32
    %dma_start3A_13 = arith.constant 0 : i32
    %dma_start3A_14 = tpu.memref_slice %arg2[%dma_start3A_13, %mul3A_11] : memref<64x100000xf32, #tpu.memory_space<hbm>> -> memref<64x128xf32, #tpu.memory_space<hbm>>
    %dma_start3A_15 = tpu.memref_slice %arg16[%dma_start3A_12] : memref<3x!tpu.dma_semaphore, #tpu.memory_space<semaphore_mem>> -> memref<1x!tpu.dma_semaphore, #tpu.memory_space<semaphore_mem>>
    %dma_start3A_16 = tpu.memref_squeeze %dma_start3A_15 : memref<1x!tpu.dma_semaphore, #tpu.memory_space<semaphore_mem>> -> memref<!tpu.dma_semaphore, #tpu.memory_space<semaphore_mem>>
    %dma_start3A_17 = arith.constant 0 : i32
    %dma_start3A_18 = tpu.memref_slice %arg2[%dma_start3A_17, %mul3A_11] : memref<64x100000xf32, #tpu.memory_space<hbm>> -> memref<64x128xf32, #tpu.memory_space<hbm>>
    tpu.enqueue_dma source(%dma_start3A_18 : memref<64x128xf32, #tpu.memory_space<hbm>>) target(%arg6 : memref<64x128xf32, #tpu.memory_space<vmem>>) target_semaphore(%dma_start3A_16 : memref<!tpu.dma_semaphore, #tpu.memory_space<semaphore_mem>>)
    %add3A_19 = arith.constant 32 : i32
    %add3A_20 = arith.addi %add3A, %add3A_19 : i32
    %mul3A_21 = arith.constant 128 : i32
    %mul3A_22 = arith.muli %add3A_20, %mul3A_21 : i32
    %dma_start3A_23 = arith.constant 1 : i32
    %dma_start3A_24 = arith.constant 0 : i32
    %dma_start3A_25 = tpu.memref_slice %arg2[%dma_start3A_24, %mul3A_22] : memref<64x100000xf32, #tpu.memory_space<hbm>> -> memref<64x128xf32, #tpu.memory_space<hbm>>
    %dma_start3A_26 = tpu.memref_slice %arg16[%dma_start3A_23] : memref<3x!tpu.dma_semaphore, #tpu.memory_space<semaphore_mem>> -> memref<1x!tpu.dma_semaphore, #tpu.memory_space<semaphore_mem>>
    %dma_start3A_27 = tpu.memref_squeeze %dma_start3A_26 : memref<1x!tpu.dma_semaphore, #tpu.memory_space<semaphore_mem>> -> memref<!tpu.dma_semaphore, #tpu.memory_space<semaphore_mem>>
    %dma_start3A_28 = arith.constant 0 : i32
    %dma_start3A_29 = tpu.memref_slice %arg2[%dma_start3A_28, %mul3A_22] : memref<64x100000xf32, #tpu.memory_space<hbm>> -> memref<64x128xf32, #tpu.memory_space<hbm>>
    tpu.enqueue_dma source(%dma_start3A_29 : memref<64x128xf32, #tpu.memory_space<hbm>>) target(%arg7 : memref<64x128xf32, #tpu.memory_space<vmem>>) target_semaphore(%dma_start3A_27 : memref<!tpu.dma_semaphore, #tpu.memory_space<semaphore_mem>>)
    %add3A_30 = arith.constant 64 : i32
    %add3A_31 = arith.addi %add3A, %add3A_30 : i32
    %mul3A_32 = arith.constant 128 : i32
    %mul3A_33 = arith.muli %add3A_31, %mul3A_32 : i32
    %dma_start3A_34 = arith.constant 2 : i32
    %dma_start3A_35 = arith.constant 0 : i32
    %dma_start3A_36 = tpu.memref_slice %arg2[%dma_start3A_35, %mul3A_33] : memref<64x100000xf32, #tpu.memory_space<hbm>> -> memref<64x128xf32, #tpu.memory_space<hbm>>
    %dma_start3A_37 = tpu.memref_slice %arg16[%dma_start3A_34] : memref<3x!tpu.dma_semaphore, #tpu.memory_space<semaphore_mem>> -> memref<1x!tpu.dma_semaphore, #tpu.memory_space<semaphore_mem>>
    %dma_start3A_38 = tpu.memref_squeeze %dma_start3A_37 : memref<1x!tpu.dma_semaphore, #tpu.memory_space<semaphore_mem>> -> memref<!tpu.dma_semaphore, #tpu.memory_space<semaphore_mem>>
    %dma_start3A_39 = arith.constant 0 : i32
    %dma_start3A_40 = tpu.memref_slice %arg2[%dma_start3A_39, %mul3A_33] : memref<64x100000xf32, #tpu.memory_space<hbm>> -> memref<64x128xf32, #tpu.memory_space<hbm>>
    tpu.enqueue_dma source(%dma_start3A_40 : memref<64x128xf32, #tpu.memory_space<hbm>>) target(%arg8 : memref<64x128xf32, #tpu.memory_space<vmem>>) target_semaphore(%dma_start3A_38 : memref<!tpu.dma_semaphore, #tpu.memory_space<semaphore_mem>>)
    %dma_wait3A = arith.constant 0 : i32
    %dma_wait3A_41 = tpu.memref_slice %arg3[%dma_wait3A, %mul3A_4] : memref<200x4096xi32, #tpu.memory_space<hbm>> -> memref<200x128xi32, #tpu.memory_space<hbm>>
    %dma_wait3A_42 = arith.constant 0 : i32
    %dma_wait3A_43 = tpu.memref_slice %arg3[%dma_wait3A_42, %mul3A_4] : memref<200x4096xi32, #tpu.memory_space<hbm>> -> memref<200x128xi32, #tpu.memory_space<hbm>>
    tpu.wait_dma2 semaphore(%arg18 : memref<!tpu.dma_semaphore, #tpu.memory_space<semaphore_mem>>) src(%dma_wait3A_43 : memref<200x128xi32, #tpu.memory_space<hbm>>) dst(%arg14 : memref<200x128xi32, #tpu.memory_space<vmem>>)
    %parallel_loop3A = arith.constant 0 : i32
    %parallel_loop3A_44 = arith.constant 1600 : i32
    %parallel_loop3A_45 = arith.constant 1 : i32
    scf.for %parallel_loop3A_116 = %parallel_loop3A to %parallel_loop3A_44 step %parallel_loop3A_45  : i32 {
      %parallel_loop3A_117 = arith.constant 3 : i32
      %parallel_loop3A_118 = arith.shrui %parallel_loop3A_116, %parallel_loop3A_117 : i32
      %parallel_loop3A_119 = arith.constant 7 : i32
      %parallel_loop3A_120 = arith.andi %parallel_loop3A_116, %parallel_loop3A_119 : i32
      %parallel_loop3A_121 = arith.constant 16 : i32
      %parallel_loop3A_122 = arith.muli %parallel_loop3A_120, %parallel_loop3A_121 : i32
      %parallel_loop3A_123 = arith.index_cast %parallel_loop3A_118 : i32 to index
      %parallel_loop3A_124 = arith.index_cast %parallel_loop3A_122 : i32 to index
      %parallel_loop3A_125 = tpu.vector_load %arg14[%parallel_loop3A_123, %parallel_loop3A_124] {strides = array<i32>} : memref<200x128xi32, #tpu.memory_space<vmem>>, vector<16xi32>,
      %parallel_loop3A_126 = arith.constant 16 : i32
      %parallel_loop3A_127 = arith.muli %parallel_loop3A_120, %parallel_loop3A_126 : i32
      %parallel_loop3A_128 = vector.broadcast %parallel_loop3A_127 : i32 to vector<16xi32>
      %parallel_loop3A_129 = arith.addi %iota3A, %parallel_loop3A_128 : vector<16xi32>
      %parallel_loop3A_130 = arith.constant 200 : i32
      %parallel_loop3A_131 = vector.broadcast %parallel_loop3A_130 : i32 to vector<16xi32>
      %parallel_loop3A_132 = arith.muli %parallel_loop3A_129, %parallel_loop3A_131 : vector<16xi32>
      %parallel_loop3A_133 = vector.broadcast %parallel_loop3A_118 : i32 to vector<16xi32>
      %parallel_loop3A_134 = arith.addi %parallel_loop3A_132, %parallel_loop3A_133 : vector<16xi32>
      tpu.vector_store_idx %arg15[%parallel_loop3A_134], %parallel_loop3A_125 : memref<25600xi32, #tpu.memory_space<vmem>>[vector<16xi32>], vector<16xi32>,
    } {sc.loop_unroll_factor = 4 : i64, sc.parallel_access}
    %mul3A_46 = arith.constant 128 : i32
    %mul3A_47 = arith.muli %add3A, %mul3A_46 : i32
    %mul3A_48 = arith.constant 200 : i32
    %mul3A_49 = arith.muli %mul3A_47, %mul3A_48 : i32
    %dma_start3A_50 = tpu.memref_slice %arg5[%mul3A_49] : memref<819200xi32, #tpu.memory_space<hbm>> -> memref<25600xi32, #tpu.memory_space<hbm>>
    %dma_start3A_51 = tpu.memref_slice %arg5[%mul3A_49] : memref<819200xi32, #tpu.memory_space<hbm>> -> memref<25600xi32, #tpu.memory_space<hbm>>
    tpu.enqueue_dma source(%arg15 : memref<25600xi32, #tpu.memory_space<vmem>>) target(%dma_start3A_51 : memref<25600xi32, #tpu.memory_space<hbm>>) target_semaphore(%arg18 : memref<!tpu.dma_semaphore, #tpu.memory_space<semaphore_mem>>)
    %scan3A = arith.constant 0 : i32
    %scan3A_52 = arith.constant 0 : i32
    %scan3A_53 = arith.constant 9 : i32
    %scan3A_54 = arith.addi %scan3A_52, %scan3A_53 : i32
    %scan3A_55 = arith.constant 1 : i32
    scf.for %scan3A_116 = %scan3A_52 to %scan3A_54 step %scan3A_55  : i32 {
      %mul3A_117 = arith.constant 3 : i32
      %mul3A_118 = arith.muli %scan3A_116, %mul3A_117 : i32
      %add3A_119 = arith.constant 0 : i32
      %add3A_120 = arith.addi %mul3A_118, %add3A_119 : i32
      %mul3A_121 = arith.constant 32 : i32
      %mul3A_122 = arith.muli %mul3A_121, %add3A_120 : i32
      %add3A_123 = arith.addi %add3A, %mul3A_122 : i32
      %lt3A_124 = arith.cmpi slt, %add3A_120, %select_n3A : i32
      %convert_element_type3A_125 = arith.extui %lt3A_124 : i1 to i32
      %cond3A_126 = arith.constant 0 : i32
      %cond3A_127 = arith.cmpi ne, %convert_element_type3A_125, %cond3A_126 : i32
      scf.if %cond3A_127 {
        %mul3A_150 = arith.constant 128 : i32
        %mul3A_151 = arith.muli %add3A_123, %mul3A_150 : i32
        %dma_wait3A_152 = arith.constant 0 : i32
        %dma_wait3A_153 = arith.constant 0 : i32
        %dma_wait3A_154 = tpu.memref_slice %arg2[%dma_wait3A_153, %mul3A_151] : memref<64x100000xf32, #tpu.memory_space<hbm>> -> memref<64x128xf32, #tpu.memory_space<hbm>>
        %dma_wait3A_155 = tpu.memref_slice %arg16[%dma_wait3A_152] : memref<3x!tpu.dma_semaphore, #tpu.memory_space<semaphore_mem>> -> memref<1x!tpu.dma_semaphore, #tpu.memory_space<semaphore_mem>>
        %dma_wait3A_156 = tpu.memref_squeeze %dma_wait3A_155 : memref<1x!tpu.dma_semaphore, #tpu.memory_space<semaphore_mem>> -> memref<!tpu.dma_semaphore, #tpu.memory_space<semaphore_mem>>
        %dma_wait3A_157 = arith.constant 0 : i32
        %dma_wait3A_158 = tpu.memref_slice %arg2[%dma_wait3A_157, %mul3A_151] : memref<64x100000xf32, #tpu.memory_space<hbm>> -> memref<64x128xf32, #tpu.memory_space<hbm>>
        tpu.wait_dma2 semaphore(%dma_wait3A_156 : memref<!tpu.dma_semaphore, #tpu.memory_space<semaphore_mem>>) src(%dma_wait3A_158 : memref<64x128xf32, #tpu.memory_space<hbm>>) dst(%arg6 : memref<64x128xf32, #tpu.memory_space<vmem>>)
        %ge3A = arith.constant 3 : i32
        %ge3A_159 = arith.cmpi sge, %add3A_120, %ge3A : i32
        %convert_element_type3A_160 = arith.extui %ge3A_159 : i1 to i32
        %cond3A_161 = arith.constant 0 : i32
        %cond3A_162 = arith.cmpi ne, %convert_element_type3A_160, %cond3A_161 : i32
        scf.if %cond3A_162 {
          %sub3A_185 = arith.constant 96 : i32
          %sub3A_186 = arith.subi %add3A_123, %sub3A_185 : i32
          %mul3A_187 = arith.constant 4096 : i32
          %mul3A_188 = arith.muli %sub3A_186, %mul3A_187 : i32
          %dma_wait3A_189 = arith.constant 0 : i32
          %dma_wait3A_190 = tpu.memref_slice %arg4[%mul3A_188] : memref<3200000xi32, #tpu.memory_space<hbm>> -> memref<4096xi32, #tpu.memory_space<hbm>>
          %dma_wait3A_191 = tpu.memref_slice %arg17[%dma_wait3A_189] : memref<3x!tpu.dma_semaphore, #tpu.memory_space<semaphore_mem>> -> memref<1x!tpu.dma_semaphore, #tpu.memory_space<semaphore_mem>>
          %dma_wait3A_192 = tpu.memref_squeeze %dma_wait3A_191 : memref<1x!tpu.dma_semaphore, #tpu.memory_space<semaphore_mem>> -> memref<!tpu.dma_semaphore, #tpu.memory_space<semaphore_mem>>
          %dma_wait3A_193 = tpu.memref_slice %arg4[%mul3A_188] : memref<3200000xi32, #tpu.memory_space<hbm>> -> memref<4096xi32, #tpu.memory_space<hbm>>
          tpu.wait_dma2 semaphore(%dma_wait3A_192 : memref<!tpu.dma_semaphore, #tpu.memory_space<semaphore_mem>>) src(%arg10 : memref<4096xi32, #tpu.memory_space<vmem>>) dst(%dma_wait3A_193 : memref<4096xi32, #tpu.memory_space<hbm>>)
        } else {
        }
        %scan3A_163 = arith.constant 0 : i32
        %scan3A_164 = arith.constant 0 : i32
        %scan3A_165 = arith.constant 8 : i32
        %scan3A_166 = arith.addi %scan3A_164, %scan3A_165 : i32
        %scan3A_167 = arith.constant 1 : i32
        scf.for %scan3A_185 = %scan3A_164 to %scan3A_166 step %scan3A_167  : i32 {
          %mul3A_186 = arith.constant 16 : i32
          %mul3A_187 = arith.muli %scan3A_185, %mul3A_186 : i32
          %add3A_188 = vector.broadcast %mul3A_187 : i32 to vector<16xi32>
          %add3A_189 = arith.addi %iota3A, %add3A_188 : vector<16xi32>
          %mul3A_190 = arith.constant 33 : i32
          %mul3A_191 = vector.broadcast %mul3A_190 : i32 to vector<16xi32>
          %mul3A_192 = arith.muli %add3A_189, %mul3A_191 : vector<16xi32>
          %parallel_loop3A_193 = arith.constant 0 : i32
          %parallel_loop3A_194 = arith.constant 32 : i32
          %parallel_loop3A_195 = arith.constant 1 : i32
          scf.for %parallel_loop3A_196 = %parallel_loop3A_193 to %parallel_loop3A_194 step %parallel_loop3A_195  : i32 {
            %parallel_loop3A_197 = arith.constant 2 : i32
            %parallel_loop3A_198 = arith.muli %parallel_loop3A_197, %parallel_loop3A_196 : i32
            %parallel_loop3A_199 = arith.index_cast %parallel_loop3A_198 : i32 to index
            %parallel_loop3A_200 = arith.index_cast %mul3A_187 : i32 to index
            %parallel_loop3A_201 = tpu.vector_load %arg6[%parallel_loop3A_199, %parallel_loop3A_200] {strides = array<i32>} : memref<64x128xf32, #tpu.memory_space<vmem>>, vector<16xf32>,
            %parallel_loop3A_202 = arith.constant 2 : i32
            %parallel_loop3A_203 = arith.muli %parallel_loop3A_202, %parallel_loop3A_196 : i32
            %parallel_loop3A_204 = arith.constant 1 : i32
            %parallel_loop3A_205 = arith.addi %parallel_loop3A_203, %parallel_loop3A_204 : i32
            %parallel_loop3A_206 = arith.index_cast %parallel_loop3A_205 : i32 to index
            %parallel_loop3A_207 = arith.index_cast %mul3A_187 : i32 to index
            %parallel_loop3A_208 = tpu.vector_load %arg6[%parallel_loop3A_206, %parallel_loop3A_207] {strides = array<i32>} : memref<64x128xf32, #tpu.memory_space<vmem>>, vector<16xf32>,
            %parallel_loop3A_209 = vector.broadcast %parallel_loop3A_196 : i32 to vector<16xi32>
            %parallel_loop3A_210 = arith.addi %mul3A_192, %parallel_loop3A_209 : vector<16xi32>
            %parallel_loop3A_211 = vector.bitcast %parallel_loop3A_201 : vector<16xf32> to vector<16xi32>
            %parallel_loop3A_212 = vector.bitcast %parallel_loop3A_208 : vector<16xf32> to vector<16xi32>
            %parallel_loop3A_213 = arith.constant 16 : i32
            %parallel_loop3A_214 = vector.broadcast %parallel_loop3A_213 : i32 to vector<16xi32>
            %parallel_loop3A_215 = arith.shrui %parallel_loop3A_211, %parallel_loop3A_214 : vector<16xi32>
            %parallel_loop3A_216 = arith.constant 1 : i32
            %parallel_loop3A_217 = vector.broadcast %parallel_loop3A_216 : i32 to vector<16xi32>
            %parallel_loop3A_218 = arith.andi %parallel_loop3A_215, %parallel_loop3A_217 : vector<16xi32>
            %parallel_loop3A_219 = arith.constant 32767 : i32
            %parallel_loop3A_220 = vector.broadcast %parallel_loop3A_219 : i32 to vector<16xi32>
            %parallel_loop3A_221 = arith.addi %parallel_loop3A_220, %parallel_loop3A_218 : vector<16xi32>
            %parallel_loop3A_222 = arith.addi %parallel_loop3A_211, %parallel_loop3A_221 : vector<16xi32>
            %parallel_loop3A_223 = arith.constant 16 : i32
            %parallel_loop3A_224 = vector.broadcast %parallel_loop3A_223 : i32 to vector<16xi32>
            %parallel_loop3A_225 = arith.shrui %parallel_loop3A_212, %parallel_loop3A_224 : vector<16xi32>
            %parallel_loop3A_226 = arith.constant 1 : i32
            %parallel_loop3A_227 = vector.broadcast %parallel_loop3A_226 : i32 to vector<16xi32>
            %parallel_loop3A_228 = arith.andi %parallel_loop3A_225, %parallel_loop3A_227 : vector<16xi32>
            %parallel_loop3A_229 = arith.constant 32767 : i32
            %parallel_loop3A_230 = vector.broadcast %parallel_loop3A_229 : i32 to vector<16xi32>
            %parallel_loop3A_231 = arith.addi %parallel_loop3A_230, %parallel_loop3A_228 : vector<16xi32>
            %parallel_loop3A_232 = arith.addi %parallel_loop3A_212, %parallel_loop3A_231 : vector<16xi32>
            %parallel_loop3A_233 = arith.constant 16 : i32
            %parallel_loop3A_234 = vector.broadcast %parallel_loop3A_233 : i32 to vector<16xi32>
            %parallel_loop3A_235 = arith.shrui %parallel_loop3A_222, %parallel_loop3A_234 : vector<16xi32>
            %parallel_loop3A_236 = arith.constant -65536 : i32
            %parallel_loop3A_237 = vector.broadcast %parallel_loop3A_236 : i32 to vector<16xi32>
            %parallel_loop3A_238 = arith.andi %parallel_loop3A_232, %parallel_loop3A_237 : vector<16xi32>
            %parallel_loop3A_239 = arith.ori %parallel_loop3A_235, %parallel_loop3A_238 : vector<16xi32>
            tpu.vector_store_idx %arg13[%parallel_loop3A_210], %parallel_loop3A_239 : memref<4224xi32, #tpu.memory_space<vmem>>[vector<16xi32>], vector<16xi32>,
          } {sc.loop_unroll_factor = 4 : i64, sc.parallel_access}
        }
        %scan3A_168 = arith.constant 8 : i32
        %parallel_loop3A_169 = arith.constant 0 : i32
        %parallel_loop3A_170 = arith.constant 128 : i32
        %parallel_loop3A_171 = arith.constant 1 : i32
        scf.for %parallel_loop3A_185 = %parallel_loop3A_169 to %parallel_loop3A_170 step %parallel_loop3A_171  : i32 {
          %parallel_loop3A_186 = arith.constant 33 : i32
          %parallel_loop3A_187 = arith.muli %parallel_loop3A_185, %parallel_loop3A_186 : i32
          %parallel_loop3A_188 = vector.broadcast %parallel_loop3A_187 : i32 to vector<16xi32>
          %parallel_loop3A_189 = arith.addi %parallel_loop3A_188, %iota3A : vector<16xi32>
          %parallel_loop3A_190 = tpu.vector_load_idx %arg13[%parallel_loop3A_189] : memref<4224xi32, #tpu.memory_space<vmem>>[vector<16xi32>], vector<16xi32>,
          %parallel_loop3A_191 = arith.constant 33 : i32
          %parallel_loop3A_192 = arith.muli %parallel_loop3A_185, %parallel_loop3A_191 : i32
          %parallel_loop3A_193 = arith.constant 16 : i32
          %parallel_loop3A_194 = arith.addi %parallel_loop3A_192, %parallel_loop3A_193 : i32
          %parallel_loop3A_195 = vector.broadcast %parallel_loop3A_194 : i32 to vector<16xi32>
          %parallel_loop3A_196 = arith.addi %parallel_loop3A_195, %iota3A : vector<16xi32>
          %parallel_loop3A_197 = tpu.vector_load_idx %arg13[%parallel_loop3A_196] : memref<4224xi32, #tpu.memory_space<vmem>>[vector<16xi32>], vector<16xi32>,
          %parallel_loop3A_198 = arith.constant 32 : i32
          %parallel_loop3A_199 = arith.muli %parallel_loop3A_185, %parallel_loop3A_198 : i32
          %parallel_loop3A_200 = arith.index_cast %parallel_loop3A_199 : i32 to index
          %parallel_loop3A_201 = tpu.vector_load %arg10[%parallel_loop3A_200] {strides = array<i32>} : memref<4096xi32, #tpu.memory_space<vmem>>, vector<16xi32>,
          tpu.vector_store %arg10[%parallel_loop3A_200], %parallel_loop3A_190 {strides = array<i32>} : memref<4096xi32, #tpu.memory_space<vmem>>, vector<16xi32>,
          %parallel_loop3A_202 = arith.constant 32 : i32
          %parallel_loop3A_203 = arith.muli %parallel_loop3A_185, %parallel_loop3A_202 : i32
          %parallel_loop3A_204 = arith.constant 16 : i32
          %parallel_loop3A_205 = arith.addi %parallel_loop3A_203, %parallel_loop3A_204 : i32
          %parallel_loop3A_206 = arith.index_cast %parallel_loop3A_205 : i32 to index
          %parallel_loop3A_207 = tpu.vector_load %arg10[%parallel_loop3A_206] {strides = array<i32>} : memref<4096xi32, #tpu.memory_space<vmem>>, vector<16xi32>,
          tpu.vector_store %arg10[%parallel_loop3A_206], %parallel_loop3A_197 {strides = array<i32>} : memref<4096xi32, #tpu.memory_space<vmem>>, vector<16xi32>,
        } {sc.loop_unroll_factor = 4 : i64, sc.parallel_access}
        %mul3A_172 = arith.constant 4096 : i32
        %mul3A_173 = arith.muli %add3A_123, %mul3A_172 : i32
        %dma_start3A_174 = arith.constant 0 : i32
        %dma_start3A_175 = tpu.memref_slice %arg4[%mul3A_173] : memref<3200000xi32, #tpu.memory_space<hbm>> -> memref<4096xi32, #tpu.memory_space<hbm>>
        %dma_start3A_176 = tpu.memref_slice %arg17[%dma_start3A_174] : memref<3x!tpu.dma_semaphore, #tpu.memory_space<semaphore_mem>> -> memref<1x!tpu.dma_semaphore, #tpu.memory_space<semaphore_mem>>
        %dma_start3A_177 = tpu.memref_squeeze %dma_start3A_176 : memref<1x!tpu.dma_semaphore, #tpu.memory_space<semaphore_mem>> -> memref<!tpu.dma_semaphore, #tpu.memory_space<semaphore_mem>>
        %dma_start3A_178 = tpu.memref_slice %arg4[%mul3A_173] : memref<3200000xi32, #tpu.memory_space<hbm>> -> memref<4096xi32, #tpu.memory_space<hbm>>
        tpu.enqueue_dma source(%arg10 : memref<4096xi32, #tpu.memory_space<vmem>>) target(%dma_start3A_178 : memref<4096xi32, #tpu.memory_space<hbm>>) target_semaphore(%dma_start3A_177 : memref<!tpu.dma_semaphore, #tpu.memory_space<semaphore_mem>>)
        %add3A_179 = arith.constant 3 : i32
        %add3A_180 = arith.addi %add3A_120, %add3A_179 : i32
        %lt3A_181 = arith.cmpi slt, %add3A_180, %select_n3A : i32
        %convert_element_type3A_182 = arith.extui %lt3A_181 : i1 to i32
        %cond3A_183 = arith.constant 0 : i32
        %cond3A_184 = arith.cmpi ne, %convert_element_type3A_182, %cond3A_183 : i32
        scf.if %cond3A_184 {
          %add3A_185 = arith.constant 96 : i32
          %add3A_186 = arith.addi %add3A_123, %add3A_185 : i32
          %mul3A_187 = arith.constant 128 : i32
          %mul3A_188 = arith.muli %add3A_186, %mul3A_187 : i32
          %dma_start3A_189 = arith.constant 0 : i32
          %dma_start3A_190 = arith.constant 0 : i32
          %dma_start3A_191 = tpu.memref_slice %arg2[%dma_start3A_190, %mul3A_188] : memref<64x100000xf32, #tpu.memory_space<hbm>> -> memref<64x128xf32, #tpu.memory_space<hbm>>
          %dma_start3A_192 = tpu.memref_slice %arg16[%dma_start3A_189] : memref<3x!tpu.dma_semaphore, #tpu.memory_space<semaphore_mem>> -> memref<1x!tpu.dma_semaphore, #tpu.memory_space<semaphore_mem>>
          %dma_start3A_193 = tpu.memref_squeeze %dma_start3A_192 : memref<1x!tpu.dma_semaphore, #tpu.memory_space<semaphore_mem>> -> memref<!tpu.dma_semaphore, #tpu.memory_space<semaphore_mem>>
          %dma_start3A_194 = arith.constant 0 : i32
          %dma_start3A_195 = tpu.memref_slice %arg2[%dma_start3A_194, %mul3A_188] : memref<64x100000xf32, #tpu.memory_space<hbm>> -> memref<64x128xf32, #tpu.memory_space<hbm>>
          tpu.enqueue_dma source(%dma_start3A_195 : memref<64x128xf32, #tpu.memory_space<hbm>>) target(%arg6 : memref<64x128xf32, #tpu.memory_space<vmem>>) target_semaphore(%dma_start3A_193 : memref<!tpu.dma_semaphore, #tpu.memory_space<semaphore_mem>>)
        } else {
        }
      } else {
      }
      %mul3A_128 = arith.constant 3 : i32
      %mul3A_129 = arith.muli %scan3A_116, %mul3A_128 : i32
      %add3A_130 = arith.constant 1 : i32
      %add3A_131 = arith.addi %mul3A_129, %add3A_130 : i32
      %mul3A_132 = arith.constant 32 : i32
      %mul3A_133 = arith.muli %mul3A_132, %add3A_131 : i32
      %add3A_134 = arith.addi %add3A, %mul3A_133 : i32
      %lt3A_135 = arith.cmpi slt, %add3A_131, %select_n3A : i32
      %convert_element_type3A_136 = arith.extui %lt3A_135 : i1 to i32
      %cond3A_137 = arith.constant 0 : i32
      %cond3A_138 = arith.cmpi ne, %convert_element_type3A_136, %cond3A_137 : i32
      scf.if %cond3A_138 {
        %mul3A_150 = arith.constant 128 : i32
        %mul3A_151 = arith.muli %add3A_134, %mul3A_150 : i32
        %dma_wait3A_152 = arith.constant 1 : i32
        %dma_wait3A_153 = arith.constant 0 : i32
        %dma_wait3A_154 = tpu.memref_slice %arg2[%dma_wait3A_153, %mul3A_151] : memref<64x100000xf32, #tpu.memory_space<hbm>> -> memref<64x128xf32, #tpu.memory_space<hbm>>
        %dma_wait3A_155 = tpu.memref_slice %arg16[%dma_wait3A_152] : memref<3x!tpu.dma_semaphore, #tpu.memory_space<semaphore_mem>> -> memref<1x!tpu.dma_semaphore, #tpu.memory_space<semaphore_mem>>
        %dma_wait3A_156 = tpu.memref_squeeze %dma_wait3A_155 : memref<1x!tpu.dma_semaphore, #tpu.memory_space<semaphore_mem>> -> memref<!tpu.dma_semaphore, #tpu.memory_space<semaphore_mem>>
        %dma_wait3A_157 = arith.constant 0 : i32
        %dma_wait3A_158 = tpu.memref_slice %arg2[%dma_wait3A_157, %mul3A_151] : memref<64x100000xf32, #tpu.memory_space<hbm>> -> memref<64x128xf32, #tpu.memory_space<hbm>>
        tpu.wait_dma2 semaphore(%dma_wait3A_156 : memref<!tpu.dma_semaphore, #tpu.memory_space<semaphore_mem>>) src(%dma_wait3A_158 : memref<64x128xf32, #tpu.memory_space<hbm>>) dst(%arg7 : memref<64x128xf32, #tpu.memory_space<vmem>>)
        %ge3A = arith.constant 3 : i32
        %ge3A_159 = arith.cmpi sge, %add3A_131, %ge3A : i32
        %convert_element_type3A_160 = arith.extui %ge3A_159 : i1 to i32
        %cond3A_161 = arith.constant 0 : i32
        %cond3A_162 = arith.cmpi ne, %convert_element_type3A_160, %cond3A_161 : i32
        scf.if %cond3A_162 {
          %sub3A_185 = arith.constant 96 : i32
          %sub3A_186 = arith.subi %add3A_134, %sub3A_185 : i32
          %mul3A_187 = arith.constant 4096 : i32
          %mul3A_188 = arith.muli %sub3A_186, %mul3A_187 : i32
          %dma_wait3A_189 = arith.constant 1 : i32
          %dma_wait3A_190 = tpu.memref_slice %arg4[%mul3A_188] : memref<3200000xi32, #tpu.memory_space<hbm>> -> memref<4096xi32, #tpu.memory_space<hbm>>
          %dma_wait3A_191 = tpu.memref_slice %arg17[%dma_wait3A_189] : memref<3x!tpu.dma_semaphore, #tpu.memory_space<semaphore_mem>> -> memref<1x!tpu.dma_semaphore, #tpu.memory_space<semaphore_mem>>
          %dma_wait3A_192 = tpu.memref_squeeze %dma_wait3A_191 : memref<1x!tpu.dma_semaphore, #tpu.memory_space<semaphore_mem>> -> memref<!tpu.dma_semaphore, #tpu.memory_space<semaphore_mem>>
          %dma_wait3A_193 = tpu.memref_slice %arg4[%mul3A_188] : memref<3200000xi32, #tpu.memory_space<hbm>> -> memref<4096xi32, #tpu.memory_space<hbm>>
          tpu.wait_dma2 semaphore(%dma_wait3A_192 : memref<!tpu.dma_semaphore, #tpu.memory_space<semaphore_mem>>) src(%arg11 : memref<4096xi32, #tpu.memory_space<vmem>>) dst(%dma_wait3A_193 : memref<4096xi32, #tpu.memory_space<hbm>>)
        } else {
        }
        %scan3A_163 = arith.constant 0 : i32
        %scan3A_164 = arith.constant 0 : i32
        %scan3A_165 = arith.constant 8 : i32
        %scan3A_166 = arith.addi %scan3A_164, %scan3A_165 : i32
        %scan3A_167 = arith.constant 1 : i32
        scf.for %scan3A_185 = %scan3A_164 to %scan3A_166 step %scan3A_167  : i32 {
          %mul3A_186 = arith.constant 16 : i32
          %mul3A_187 = arith.muli %scan3A_185, %mul3A_186 : i32
          %add3A_188 = vector.broadcast %mul3A_187 : i32 to vector<16xi32>
          %add3A_189 = arith.addi %iota3A, %add3A_188 : vector<16xi32>
          %mul3A_190 = arith.constant 33 : i32
          %mul3A_191 = vector.broadcast %mul3A_190 : i32 to vector<16xi32>
          %mul3A_192 = arith.muli %add3A_189, %mul3A_191 : vector<16xi32>
          %parallel_loop3A_193 = arith.constant 0 : i32
          %parallel_loop3A_194 = arith.constant 32 : i32
          %parallel_loop3A_195 = arith.constant 1 : i32
          scf.for %parallel_loop3A_196 = %parallel_loop3A_193 to %parallel_loop3A_194 step %parallel_loop3A_195  : i32 {
            %parallel_loop3A_197 = arith.constant 2 : i32
            %parallel_loop3A_198 = arith.muli %parallel_loop3A_197, %parallel_loop3A_196 : i32
            %parallel_loop3A_199 = arith.index_cast %parallel_loop3A_198 : i32 to index
            %parallel_loop3A_200 = arith.index_cast %mul3A_187 : i32 to index
            %parallel_loop3A_201 = tpu.vector_load %arg7[%parallel_loop3A_199, %parallel_loop3A_200] {strides = array<i32>} : memref<64x128xf32, #tpu.memory_space<vmem>>, vector<16xf32>,
            %parallel_loop3A_202 = arith.constant 2 : i32
            %parallel_loop3A_203 = arith.muli %parallel_loop3A_202, %parallel_loop3A_196 : i32
            %parallel_loop3A_204 = arith.constant 1 : i32
            %parallel_loop3A_205 = arith.addi %parallel_loop3A_203, %parallel_loop3A_204 : i32
            %parallel_loop3A_206 = arith.index_cast %parallel_loop3A_205 : i32 to index
            %parallel_loop3A_207 = arith.index_cast %mul3A_187 : i32 to index
            %parallel_loop3A_208 = tpu.vector_load %arg7[%parallel_loop3A_206, %parallel_loop3A_207] {strides = array<i32>} : memref<64x128xf32, #tpu.memory_space<vmem>>, vector<16xf32>,
            %parallel_loop3A_209 = vector.broadcast %parallel_loop3A_196 : i32 to vector<16xi32>
            %parallel_loop3A_210 = arith.addi %mul3A_192, %parallel_loop3A_209 : vector<16xi32>
            %parallel_loop3A_211 = vector.bitcast %parallel_loop3A_201 : vector<16xf32> to vector<16xi32>
            %parallel_loop3A_212 = vector.bitcast %parallel_loop3A_208 : vector<16xf32> to vector<16xi32>
            %parallel_loop3A_213 = arith.constant 16 : i32
            %parallel_loop3A_214 = vector.broadcast %parallel_loop3A_213 : i32 to vector<16xi32>
            %parallel_loop3A_215 = arith.shrui %parallel_loop3A_211, %parallel_loop3A_214 : vector<16xi32>
            %parallel_loop3A_216 = arith.constant 1 : i32
            %parallel_loop3A_217 = vector.broadcast %parallel_loop3A_216 : i32 to vector<16xi32>
            %parallel_loop3A_218 = arith.andi %parallel_loop3A_215, %parallel_loop3A_217 : vector<16xi32>
            %parallel_loop3A_219 = arith.constant 32767 : i32
            %parallel_loop3A_220 = vector.broadcast %parallel_loop3A_219 : i32 to vector<16xi32>
            %parallel_loop3A_221 = arith.addi %parallel_loop3A_220, %parallel_loop3A_218 : vector<16xi32>
            %parallel_loop3A_222 = arith.addi %parallel_loop3A_211, %parallel_loop3A_221 : vector<16xi32>
            %parallel_loop3A_223 = arith.constant 16 : i32
            %parallel_loop3A_224 = vector.broadcast %parallel_loop3A_223 : i32 to vector<16xi32>
            %parallel_loop3A_225 = arith.shrui %parallel_loop3A_212, %parallel_loop3A_224 : vector<16xi32>
            %parallel_loop3A_226 = arith.constant 1 : i32
            %parallel_loop3A_227 = vector.broadcast %parallel_loop3A_226 : i32 to vector<16xi32>
            %parallel_loop3A_228 = arith.andi %parallel_loop3A_225, %parallel_loop3A_227 : vector<16xi32>
            %parallel_loop3A_229 = arith.constant 32767 : i32
            %parallel_loop3A_230 = vector.broadcast %parallel_loop3A_229 : i32 to vector<16xi32>
            %parallel_loop3A_231 = arith.addi %parallel_loop3A_230, %parallel_loop3A_228 : vector<16xi32>
            %parallel_loop3A_232 = arith.addi %parallel_loop3A_212, %parallel_loop3A_231 : vector<16xi32>
            %parallel_loop3A_233 = arith.constant 16 : i32
            %parallel_loop3A_234 = vector.broadcast %parallel_loop3A_233 : i32 to vector<16xi32>
            %parallel_loop3A_235 = arith.shrui %parallel_loop3A_222, %parallel_loop3A_234 : vector<16xi32>
            %parallel_loop3A_236 = arith.constant -65536 : i32
            %parallel_loop3A_237 = vector.broadcast %parallel_loop3A_236 : i32 to vector<16xi32>
            %parallel_loop3A_238 = arith.andi %parallel_loop3A_232, %parallel_loop3A_237 : vector<16xi32>
            %parallel_loop3A_239 = arith.ori %parallel_loop3A_235, %parallel_loop3A_238 : vector<16xi32>
            tpu.vector_store_idx %arg13[%parallel_loop3A_210], %parallel_loop3A_239 : memref<4224xi32, #tpu.memory_space<vmem>>[vector<16xi32>], vector<16xi32>,
          } {sc.loop_unroll_factor = 4 : i64, sc.parallel_access}
        }
        %scan3A_168 = arith.constant 8 : i32
        %parallel_loop3A_169 = arith.constant 0 : i32
        %parallel_loop3A_170 = arith.constant 128 : i32
        %parallel_loop3A_171 = arith.constant 1 : i32
        scf.for %parallel_loop3A_185 = %parallel_loop3A_169 to %parallel_loop3A_170 step %parallel_loop3A_171  : i32 {
          %parallel_loop3A_186 = arith.constant 33 : i32
          %parallel_loop3A_187 = arith.muli %parallel_loop3A_185, %parallel_loop3A_186 : i32
          %parallel_loop3A_188 = vector.broadcast %parallel_loop3A_187 : i32 to vector<16xi32>
          %parallel_loop3A_189 = arith.addi %parallel_loop3A_188, %iota3A : vector<16xi32>
          %parallel_loop3A_190 = tpu.vector_load_idx %arg13[%parallel_loop3A_189] : memref<4224xi32, #tpu.memory_space<vmem>>[vector<16xi32>], vector<16xi32>,
          %parallel_loop3A_191 = arith.constant 33 : i32
          %parallel_loop3A_192 = arith.muli %parallel_loop3A_185, %parallel_loop3A_191 : i32
          %parallel_loop3A_193 = arith.constant 16 : i32
          %parallel_loop3A_194 = arith.addi %parallel_loop3A_192, %parallel_loop3A_193 : i32
          %parallel_loop3A_195 = vector.broadcast %parallel_loop3A_194 : i32 to vector<16xi32>
          %parallel_loop3A_196 = arith.addi %parallel_loop3A_195, %iota3A : vector<16xi32>
          %parallel_loop3A_197 = tpu.vector_load_idx %arg13[%parallel_loop3A_196] : memref<4224xi32, #tpu.memory_space<vmem>>[vector<16xi32>], vector<16xi32>,
          %parallel_loop3A_198 = arith.constant 32 : i32
          %parallel_loop3A_199 = arith.muli %parallel_loop3A_185, %parallel_loop3A_198 : i32
          %parallel_loop3A_200 = arith.index_cast %parallel_loop3A_199 : i32 to index
          %parallel_loop3A_201 = tpu.vector_load %arg11[%parallel_loop3A_200] {strides = array<i32>} : memref<4096xi32, #tpu.memory_space<vmem>>, vector<16xi32>,
          tpu.vector_store %arg11[%parallel_loop3A_200], %parallel_loop3A_190 {strides = array<i32>} : memref<4096xi32, #tpu.memory_space<vmem>>, vector<16xi32>,
          %parallel_loop3A_202 = arith.constant 32 : i32
          %parallel_loop3A_203 = arith.muli %parallel_loop3A_185, %parallel_loop3A_202 : i32
          %parallel_loop3A_204 = arith.constant 16 : i32
          %parallel_loop3A_205 = arith.addi %parallel_loop3A_203, %parallel_loop3A_204 : i32
          %parallel_loop3A_206 = arith.index_cast %parallel_loop3A_205 : i32 to index
          %parallel_loop3A_207 = tpu.vector_load %arg11[%parallel_loop3A_206] {strides = array<i32>} : memref<4096xi32, #tpu.memory_space<vmem>>, vector<16xi32>,
          tpu.vector_store %arg11[%parallel_loop3A_206], %parallel_loop3A_197 {strides = array<i32>} : memref<4096xi32, #tpu.memory_space<vmem>>, vector<16xi32>,
        } {sc.loop_unroll_factor = 4 : i64, sc.parallel_access}
        %mul3A_172 = arith.constant 4096 : i32
        %mul3A_173 = arith.muli %add3A_134, %mul3A_172 : i32
        %dma_start3A_174 = arith.constant 1 : i32
        %dma_start3A_175 = tpu.memref_slice %arg4[%mul3A_173] : memref<3200000xi32, #tpu.memory_space<hbm>> -> memref<4096xi32, #tpu.memory_space<hbm>>
        %dma_start3A_176 = tpu.memref_slice %arg17[%dma_start3A_174] : memref<3x!tpu.dma_semaphore, #tpu.memory_space<semaphore_mem>> -> memref<1x!tpu.dma_semaphore, #tpu.memory_space<semaphore_mem>>
        %dma_start3A_177 = tpu.memref_squeeze %dma_start3A_176 : memref<1x!tpu.dma_semaphore, #tpu.memory_space<semaphore_mem>> -> memref<!tpu.dma_semaphore, #tpu.memory_space<semaphore_mem>>
        %dma_start3A_178 = tpu.memref_slice %arg4[%mul3A_173] : memref<3200000xi32, #tpu.memory_space<hbm>> -> memref<4096xi32, #tpu.memory_space<hbm>>
        tpu.enqueue_dma source(%arg11 : memref<4096xi32, #tpu.memory_space<vmem>>) target(%dma_start3A_178 : memref<4096xi32, #tpu.memory_space<hbm>>) target_semaphore(%dma_start3A_177 : memref<!tpu.dma_semaphore, #tpu.memory_space<semaphore_mem>>)
        %add3A_179 = arith.constant 3 : i32
        %add3A_180 = arith.addi %add3A_131, %add3A_179 : i32
        %lt3A_181 = arith.cmpi slt, %add3A_180, %select_n3A : i32
        %convert_element_type3A_182 = arith.extui %lt3A_181 : i1 to i32
        %cond3A_183 = arith.constant 0 : i32
        %cond3A_184 = arith.cmpi ne, %convert_element_type3A_182, %cond3A_183 : i32
        scf.if %cond3A_184 {
          %add3A_185 = arith.constant 96 : i32
          %add3A_186 = arith.addi %add3A_134, %add3A_185 : i32
          %mul3A_187 = arith.constant 128 : i32
          %mul3A_188 = arith.muli %add3A_186, %mul3A_187 : i32
          %dma_start3A_189 = arith.constant 1 : i32
          %dma_start3A_190 = arith.constant 0 : i32
          %dma_start3A_191 = tpu.memref_slice %arg2[%dma_start3A_190, %mul3A_188] : memref<64x100000xf32, #tpu.memory_space<hbm>> -> memref<64x128xf32, #tpu.memory_space<hbm>>
          %dma_start3A_192 = tpu.memref_slice %arg16[%dma_start3A_189] : memref<3x!tpu.dma_semaphore, #tpu.memory_space<semaphore_mem>> -> memref<1x!tpu.dma_semaphore, #tpu.memory_space<semaphore_mem>>
          %dma_start3A_193 = tpu.memref_squeeze %dma_start3A_192 : memref<1x!tpu.dma_semaphore, #tpu.memory_space<semaphore_mem>> -> memref<!tpu.dma_semaphore, #tpu.memory_space<semaphore_mem>>
          %dma_start3A_194 = arith.constant 0 : i32
          %dma_start3A_195 = tpu.memref_slice %arg2[%dma_start3A_194, %mul3A_188] : memref<64x100000xf32, #tpu.memory_space<hbm>> -> memref<64x128xf32, #tpu.memory_space<hbm>>
          tpu.enqueue_dma source(%dma_start3A_195 : memref<64x128xf32, #tpu.memory_space<hbm>>) target(%arg7 : memref<64x128xf32, #tpu.memory_space<vmem>>) target_semaphore(%dma_start3A_193 : memref<!tpu.dma_semaphore, #tpu.memory_space<semaphore_mem>>)
        } else {
        }
      } else {
      }
      %mul3A_139 = arith.constant 3 : i32
      %mul3A_140 = arith.muli %scan3A_116, %mul3A_139 : i32
      %add3A_141 = arith.constant 2 : i32
      %add3A_142 = arith.addi %mul3A_140, %add3A_141 : i32
      %mul3A_143 = arith.constant 32 : i32
      %mul3A_144 = arith.muli %mul3A_143, %add3A_142 : i32
      %add3A_145 = arith.addi %add3A, %mul3A_144 : i32
      %lt3A_146 = arith.cmpi slt, %add3A_142, %select_n3A : i32
      %convert_element_type3A_147 = arith.extui %lt3A_146 : i1 to i32
      %cond3A_148 = arith.constant 0 : i32
      %cond3A_149 = arith.cmpi ne, %convert_element_type3A_147, %cond3A_148 : i32
      scf.if %cond3A_149 {
        %mul3A_150 = arith.constant 128 : i32
        %mul3A_151 = arith.muli %add3A_145, %mul3A_150 : i32
        %dma_wait3A_152 = arith.constant 2 : i32
        %dma_wait3A_153 = arith.constant 0 : i32
        %dma_wait3A_154 = tpu.memref_slice %arg2[%dma_wait3A_153, %mul3A_151] : memref<64x100000xf32, #tpu.memory_space<hbm>> -> memref<64x128xf32, #tpu.memory_space<hbm>>
        %dma_wait3A_155 = tpu.memref_slice %arg16[%dma_wait3A_152] : memref<3x!tpu.dma_semaphore, #tpu.memory_space<semaphore_mem>> -> memref<1x!tpu.dma_semaphore, #tpu.memory_space<semaphore_mem>>
        %dma_wait3A_156 = tpu.memref_squeeze %dma_wait3A_155 : memref<1x!tpu.dma_semaphore, #tpu.memory_space<semaphore_mem>> -> memref<!tpu.dma_semaphore, #tpu.memory_space<semaphore_mem>>
        %dma_wait3A_157 = arith.constant 0 : i32
        %dma_wait3A_158 = tpu.memref_slice %arg2[%dma_wait3A_157, %mul3A_151] : memref<64x100000xf32, #tpu.memory_space<hbm>> -> memref<64x128xf32, #tpu.memory_space<hbm>>
        tpu.wait_dma2 semaphore(%dma_wait3A_156 : memref<!tpu.dma_semaphore, #tpu.memory_space<semaphore_mem>>) src(%dma_wait3A_158 : memref<64x128xf32, #tpu.memory_space<hbm>>) dst(%arg8 : memref<64x128xf32, #tpu.memory_space<vmem>>)
        %ge3A = arith.constant 3 : i32
        %ge3A_159 = arith.cmpi sge, %add3A_142, %ge3A : i32
        %convert_element_type3A_160 = arith.extui %ge3A_159 : i1 to i32
        %cond3A_161 = arith.constant 0 : i32
        %cond3A_162 = arith.cmpi ne, %convert_element_type3A_160, %cond3A_161 : i32
        scf.if %cond3A_162 {
          %sub3A_185 = arith.constant 96 : i32
          %sub3A_186 = arith.subi %add3A_145, %sub3A_185 : i32
          %mul3A_187 = arith.constant 4096 : i32
          %mul3A_188 = arith.muli %sub3A_186, %mul3A_187 : i32
          %dma_wait3A_189 = arith.constant 2 : i32
          %dma_wait3A_190 = tpu.memref_slice %arg4[%mul3A_188] : memref<3200000xi32, #tpu.memory_space<hbm>> -> memref<4096xi32, #tpu.memory_space<hbm>>
          %dma_wait3A_191 = tpu.memref_slice %arg17[%dma_wait3A_189] : memref<3x!tpu.dma_semaphore, #tpu.memory_space<semaphore_mem>> -> memref<1x!tpu.dma_semaphore, #tpu.memory_space<semaphore_mem>>
          %dma_wait3A_192 = tpu.memref_squeeze %dma_wait3A_191 : memref<1x!tpu.dma_semaphore, #tpu.memory_space<semaphore_mem>> -> memref<!tpu.dma_semaphore, #tpu.memory_space<semaphore_mem>>
          %dma_wait3A_193 = tpu.memref_slice %arg4[%mul3A_188] : memref<3200000xi32, #tpu.memory_space<hbm>> -> memref<4096xi32, #tpu.memory_space<hbm>>
          tpu.wait_dma2 semaphore(%dma_wait3A_192 : memref<!tpu.dma_semaphore, #tpu.memory_space<semaphore_mem>>) src(%arg12 : memref<4096xi32, #tpu.memory_space<vmem>>) dst(%dma_wait3A_193 : memref<4096xi32, #tpu.memory_space<hbm>>)
        } else {
        }
        %scan3A_163 = arith.constant 0 : i32
        %scan3A_164 = arith.constant 0 : i32
        %scan3A_165 = arith.constant 8 : i32
        %scan3A_166 = arith.addi %scan3A_164, %scan3A_165 : i32
        %scan3A_167 = arith.constant 1 : i32
        scf.for %scan3A_185 = %scan3A_164 to %scan3A_166 step %scan3A_167  : i32 {
          %mul3A_186 = arith.constant 16 : i32
          %mul3A_187 = arith.muli %scan3A_185, %mul3A_186 : i32
          %add3A_188 = vector.broadcast %mul3A_187 : i32 to vector<16xi32>
          %add3A_189 = arith.addi %iota3A, %add3A_188 : vector<16xi32>
          %mul3A_190 = arith.constant 33 : i32
          %mul3A_191 = vector.broadcast %mul3A_190 : i32 to vector<16xi32>
          %mul3A_192 = arith.muli %add3A_189, %mul3A_191 : vector<16xi32>
          %parallel_loop3A_193 = arith.constant 0 : i32
          %parallel_loop3A_194 = arith.constant 32 : i32
          %parallel_loop3A_195 = arith.constant 1 : i32
          scf.for %parallel_loop3A_196 = %parallel_loop3A_193 to %parallel_loop3A_194 step %parallel_loop3A_195  : i32 {
            %parallel_loop3A_197 = arith.constant 2 : i32
            %parallel_loop3A_198 = arith.muli %parallel_loop3A_197, %parallel_loop3A_196 : i32
            %parallel_loop3A_199 = arith.index_cast %parallel_loop3A_198 : i32 to index
            %parallel_loop3A_200 = arith.index_cast %mul3A_187 : i32 to index
            %parallel_loop3A_201 = tpu.vector_load %arg8[%parallel_loop3A_199, %parallel_loop3A_200] {strides = array<i32>} : memref<64x128xf32, #tpu.memory_space<vmem>>, vector<16xf32>,
            %parallel_loop3A_202 = arith.constant 2 : i32
            %parallel_loop3A_203 = arith.muli %parallel_loop3A_202, %parallel_loop3A_196 : i32
            %parallel_loop3A_204 = arith.constant 1 : i32
            %parallel_loop3A_205 = arith.addi %parallel_loop3A_203, %parallel_loop3A_204 : i32
            %parallel_loop3A_206 = arith.index_cast %parallel_loop3A_205 : i32 to index
            %parallel_loop3A_207 = arith.index_cast %mul3A_187 : i32 to index
            %parallel_loop3A_208 = tpu.vector_load %arg8[%parallel_loop3A_206, %parallel_loop3A_207] {strides = array<i32>} : memref<64x128xf32, #tpu.memory_space<vmem>>, vector<16xf32>,
            %parallel_loop3A_209 = vector.broadcast %parallel_loop3A_196 : i32 to vector<16xi32>
            %parallel_loop3A_210 = arith.addi %mul3A_192, %parallel_loop3A_209 : vector<16xi32>
            %parallel_loop3A_211 = vector.bitcast %parallel_loop3A_201 : vector<16xf32> to vector<16xi32>
            %parallel_loop3A_212 = vector.bitcast %parallel_loop3A_208 : vector<16xf32> to vector<16xi32>
            %parallel_loop3A_213 = arith.constant 16 : i32
            %parallel_loop3A_214 = vector.broadcast %parallel_loop3A_213 : i32 to vector<16xi32>
            %parallel_loop3A_215 = arith.shrui %parallel_loop3A_211, %parallel_loop3A_214 : vector<16xi32>
            %parallel_loop3A_216 = arith.constant 1 : i32
            %parallel_loop3A_217 = vector.broadcast %parallel_loop3A_216 : i32 to vector<16xi32>
            %parallel_loop3A_218 = arith.andi %parallel_loop3A_215, %parallel_loop3A_217 : vector<16xi32>
            %parallel_loop3A_219 = arith.constant 32767 : i32
            %parallel_loop3A_220 = vector.broadcast %parallel_loop3A_219 : i32 to vector<16xi32>
            %parallel_loop3A_221 = arith.addi %parallel_loop3A_220, %parallel_loop3A_218 : vector<16xi32>
            %parallel_loop3A_222 = arith.addi %parallel_loop3A_211, %parallel_loop3A_221 : vector<16xi32>
            %parallel_loop3A_223 = arith.constant 16 : i32
            %parallel_loop3A_224 = vector.broadcast %parallel_loop3A_223 : i32 to vector<16xi32>
            %parallel_loop3A_225 = arith.shrui %parallel_loop3A_212, %parallel_loop3A_224 : vector<16xi32>
            %parallel_loop3A_226 = arith.constant 1 : i32
            %parallel_loop3A_227 = vector.broadcast %parallel_loop3A_226 : i32 to vector<16xi32>
            %parallel_loop3A_228 = arith.andi %parallel_loop3A_225, %parallel_loop3A_227 : vector<16xi32>
            %parallel_loop3A_229 = arith.constant 32767 : i32
            %parallel_loop3A_230 = vector.broadcast %parallel_loop3A_229 : i32 to vector<16xi32>
            %parallel_loop3A_231 = arith.addi %parallel_loop3A_230, %parallel_loop3A_228 : vector<16xi32>
            %parallel_loop3A_232 = arith.addi %parallel_loop3A_212, %parallel_loop3A_231 : vector<16xi32>
            %parallel_loop3A_233 = arith.constant 16 : i32
            %parallel_loop3A_234 = vector.broadcast %parallel_loop3A_233 : i32 to vector<16xi32>
            %parallel_loop3A_235 = arith.shrui %parallel_loop3A_222, %parallel_loop3A_234 : vector<16xi32>
            %parallel_loop3A_236 = arith.constant -65536 : i32
            %parallel_loop3A_237 = vector.broadcast %parallel_loop3A_236 : i32 to vector<16xi32>
            %parallel_loop3A_238 = arith.andi %parallel_loop3A_232, %parallel_loop3A_237 : vector<16xi32>
            %parallel_loop3A_239 = arith.ori %parallel_loop3A_235, %parallel_loop3A_238 : vector<16xi32>
            tpu.vector_store_idx %arg13[%parallel_loop3A_210], %parallel_loop3A_239 : memref<4224xi32, #tpu.memory_space<vmem>>[vector<16xi32>], vector<16xi32>,
          } {sc.loop_unroll_factor = 4 : i64, sc.parallel_access}
        }
        %scan3A_168 = arith.constant 8 : i32
        %parallel_loop3A_169 = arith.constant 0 : i32
        %parallel_loop3A_170 = arith.constant 128 : i32
        %parallel_loop3A_171 = arith.constant 1 : i32
        scf.for %parallel_loop3A_185 = %parallel_loop3A_169 to %parallel_loop3A_170 step %parallel_loop3A_171  : i32 {
          %parallel_loop3A_186 = arith.constant 33 : i32
          %parallel_loop3A_187 = arith.muli %parallel_loop3A_185, %parallel_loop3A_186 : i32
          %parallel_loop3A_188 = vector.broadcast %parallel_loop3A_187 : i32 to vector<16xi32>
          %parallel_loop3A_189 = arith.addi %parallel_loop3A_188, %iota3A : vector<16xi32>
          %parallel_loop3A_190 = tpu.vector_load_idx %arg13[%parallel_loop3A_189] : memref<4224xi32, #tpu.memory_space<vmem>>[vector<16xi32>], vector<16xi32>,
          %parallel_loop3A_191 = arith.constant 33 : i32
          %parallel_loop3A_192 = arith.muli %parallel_loop3A_185, %parallel_loop3A_191 : i32
          %parallel_loop3A_193 = arith.constant 16 : i32
          %parallel_loop3A_194 = arith.addi %parallel_loop3A_192, %parallel_loop3A_193 : i32
          %parallel_loop3A_195 = vector.broadcast %parallel_loop3A_194 : i32 to vector<16xi32>
          %parallel_loop3A_196 = arith.addi %parallel_loop3A_195, %iota3A : vector<16xi32>
          %parallel_loop3A_197 = tpu.vector_load_idx %arg13[%parallel_loop3A_196] : memref<4224xi32, #tpu.memory_space<vmem>>[vector<16xi32>], vector<16xi32>,
          %parallel_loop3A_198 = arith.constant 32 : i32
          %parallel_loop3A_199 = arith.muli %parallel_loop3A_185, %parallel_loop3A_198 : i32
          %parallel_loop3A_200 = arith.index_cast %parallel_loop3A_199 : i32 to index
          %parallel_loop3A_201 = tpu.vector_load %arg12[%parallel_loop3A_200] {strides = array<i32>} : memref<4096xi32, #tpu.memory_space<vmem>>, vector<16xi32>,
          tpu.vector_store %arg12[%parallel_loop3A_200], %parallel_loop3A_190 {strides = array<i32>} : memref<4096xi32, #tpu.memory_space<vmem>>, vector<16xi32>,
          %parallel_loop3A_202 = arith.constant 32 : i32
          %parallel_loop3A_203 = arith.muli %parallel_loop3A_185, %parallel_loop3A_202 : i32
          %parallel_loop3A_204 = arith.constant 16 : i32
          %parallel_loop3A_205 = arith.addi %parallel_loop3A_203, %parallel_loop3A_204 : i32
          %parallel_loop3A_206 = arith.index_cast %parallel_loop3A_205 : i32 to index
          %parallel_loop3A_207 = tpu.vector_load %arg12[%parallel_loop3A_206] {strides = array<i32>} : memref<4096xi32, #tpu.memory_space<vmem>>, vector<16xi32>,
          tpu.vector_store %arg12[%parallel_loop3A_206], %parallel_loop3A_197 {strides = array<i32>} : memref<4096xi32, #tpu.memory_space<vmem>>, vector<16xi32>,
        } {sc.loop_unroll_factor = 4 : i64, sc.parallel_access}
        %mul3A_172 = arith.constant 4096 : i32
        %mul3A_173 = arith.muli %add3A_145, %mul3A_172 : i32
        %dma_start3A_174 = arith.constant 2 : i32
        %dma_start3A_175 = tpu.memref_slice %arg4[%mul3A_173] : memref<3200000xi32, #tpu.memory_space<hbm>> -> memref<4096xi32, #tpu.memory_space<hbm>>
        %dma_start3A_176 = tpu.memref_slice %arg17[%dma_start3A_174] : memref<3x!tpu.dma_semaphore, #tpu.memory_space<semaphore_mem>> -> memref<1x!tpu.dma_semaphore, #tpu.memory_space<semaphore_mem>>
        %dma_start3A_177 = tpu.memref_squeeze %dma_start3A_176 : memref<1x!tpu.dma_semaphore, #tpu.memory_space<semaphore_mem>> -> memref<!tpu.dma_semaphore, #tpu.memory_space<semaphore_mem>>
        %dma_start3A_178 = tpu.memref_slice %arg4[%mul3A_173] : memref<3200000xi32, #tpu.memory_space<hbm>> -> memref<4096xi32, #tpu.memory_space<hbm>>
        tpu.enqueue_dma source(%arg12 : memref<4096xi32, #tpu.memory_space<vmem>>) target(%dma_start3A_178 : memref<4096xi32, #tpu.memory_space<hbm>>) target_semaphore(%dma_start3A_177 : memref<!tpu.dma_semaphore, #tpu.memory_space<semaphore_mem>>)
        %add3A_179 = arith.constant 3 : i32
        %add3A_180 = arith.addi %add3A_142, %add3A_179 : i32
        %lt3A_181 = arith.cmpi slt, %add3A_180, %select_n3A : i32
        %convert_element_type3A_182 = arith.extui %lt3A_181 : i1 to i32
        %cond3A_183 = arith.constant 0 : i32
        %cond3A_184 = arith.cmpi ne, %convert_element_type3A_182, %cond3A_183 : i32
        scf.if %cond3A_184 {
          %add3A_185 = arith.constant 96 : i32
          %add3A_186 = arith.addi %add3A_145, %add3A_185 : i32
          %mul3A_187 = arith.constant 128 : i32
          %mul3A_188 = arith.muli %add3A_186, %mul3A_187 : i32
          %dma_start3A_189 = arith.constant 2 : i32
          %dma_start3A_190 = arith.constant 0 : i32
          %dma_start3A_191 = tpu.memref_slice %arg2[%dma_start3A_190, %mul3A_188] : memref<64x100000xf32, #tpu.memory_space<hbm>> -> memref<64x128xf32, #tpu.memory_space<hbm>>
          %dma_start3A_192 = tpu.memref_slice %arg16[%dma_start3A_189] : memref<3x!tpu.dma_semaphore, #tpu.memory_space<semaphore_mem>> -> memref<1x!tpu.dma_semaphore, #tpu.memory_space<semaphore_mem>>
          %dma_start3A_193 = tpu.memref_squeeze %dma_start3A_192 : memref<1x!tpu.dma_semaphore, #tpu.memory_space<semaphore_mem>> -> memref<!tpu.dma_semaphore, #tpu.memory_space<semaphore_mem>>
          %dma_start3A_194 = arith.constant 0 : i32
          %dma_start3A_195 = tpu.memref_slice %arg2[%dma_start3A_194, %mul3A_188] : memref<64x100000xf32, #tpu.memory_space<hbm>> -> memref<64x128xf32, #tpu.memory_space<hbm>>
          tpu.enqueue_dma source(%dma_start3A_195 : memref<64x128xf32, #tpu.memory_space<hbm>>) target(%arg8 : memref<64x128xf32, #tpu.memory_space<vmem>>) target_semaphore(%dma_start3A_193 : memref<!tpu.dma_semaphore, #tpu.memory_space<semaphore_mem>>)
        } else {
        }
      } else {
      }
    }
    %scan3A_56 = arith.constant 9 : i32
    %sub3A = arith.constant 1 : i32
    %sub3A_57 = arith.subi %select_n3A, %sub3A : i32
    %sub3A_58 = arith.constant 1 : i32
    %sub3A_59 = arith.subi %select_n3A, %sub3A_58 : i32
    %sub3A_60 = arith.constant 0 : i32
    %sub3A_61 = arith.subi %sub3A_59, %sub3A_60 : i32
    %rem3A = arith.constant 3 : i32
    %rem3A_62 = arith.remsi %sub3A_61, %rem3A : i32
    %sub3A_63 = arith.subi %sub3A_57, %rem3A_62 : i32
    %mul3A_64 = arith.constant 32 : i32
    %mul3A_65 = arith.muli %mul3A_64, %sub3A_63 : i32
    %add3A_66 = arith.addi %add3A, %mul3A_65 : i32
    %mul3A_67 = arith.constant 4096 : i32
    %mul3A_68 = arith.muli %add3A_66, %mul3A_67 : i32
    %dma_wait3A_69 = arith.constant 0 : i32
    %dma_wait3A_70 = tpu.memref_slice %arg4[%mul3A_68] : memref<3200000xi32, #tpu.memory_space<hbm>> -> memref<4096xi32, #tpu.memory_space<hbm>>
    %dma_wait3A_71 = tpu.memref_slice %arg17[%dma_wait3A_69] : memref<3x!tpu.dma_semaphore, #tpu.memory_space<semaphore_mem>> -> memref<1x!tpu.dma_semaphore, #tpu.memory_space<semaphore_mem>>
    %dma_wait3A_72 = tpu.memref_squeeze %dma_wait3A_71 : memref<1x!tpu.dma_semaphore, #tpu.memory_space<semaphore_mem>> -> memref<!tpu.dma_semaphore, #tpu.memory_space<semaphore_mem>>
    %dma_wait3A_73 = tpu.memref_slice %arg4[%mul3A_68] : memref<3200000xi32, #tpu.memory_space<hbm>> -> memref<4096xi32, #tpu.memory_space<hbm>>
    tpu.wait_dma2 semaphore(%dma_wait3A_72 : memref<!tpu.dma_semaphore, #tpu.memory_space<semaphore_mem>>) src(%arg10 : memref<4096xi32, #tpu.memory_space<vmem>>) dst(%dma_wait3A_73 : memref<4096xi32, #tpu.memory_space<hbm>>)
    %sub3A_74 = arith.constant 1 : i32
    %sub3A_75 = arith.subi %select_n3A, %sub3A_74 : i32
    %sub3A_76 = arith.constant 1 : i32
    %sub3A_77 = arith.subi %select_n3A, %sub3A_76 : i32
    %sub3A_78 = arith.constant 1 : i32
    %sub3A_79 = arith.subi %sub3A_77, %sub3A_78 : i32
    %rem3A_80 = arith.constant 3 : i32
    %rem3A_81 = arith.remsi %sub3A_79, %rem3A_80 : i32
    %sub3A_82 = arith.subi %sub3A_75, %rem3A_81 : i32
    %mul3A_83 = arith.constant 32 : i32
    %mul3A_84 = arith.muli %mul3A_83, %sub3A_82 : i32
    %add3A_85 = arith.addi %add3A, %mul3A_84 : i32
    %mul3A_86 = arith.constant 4096 : i32
    %mul3A_87 = arith.muli %add3A_85, %mul3A_86 : i32
    %dma_wait3A_88 = arith.constant 1 : i32
    %dma_wait3A_89 = tpu.memref_slice %arg4[%mul3A_87] : memref<3200000xi32, #tpu.memory_space<hbm>> -> memref<4096xi32, #tpu.memory_space<hbm>>
    %dma_wait3A_90 = tpu.memref_slice %arg17[%dma_wait3A_88] : memref<3x!tpu.dma_semaphore, #tpu.memory_space<semaphore_mem>> -> memref<1x!tpu.dma_semaphore, #tpu.memory_space<semaphore_mem>>
    %dma_wait3A_91 = tpu.memref_squeeze %dma_wait3A_90 : memref<1x!tpu.dma_semaphore, #tpu.memory_space<semaphore_mem>> -> memref<!tpu.dma_semaphore, #tpu.memory_space<semaphore_mem>>
    %dma_wait3A_92 = tpu.memref_slice %arg4[%mul3A_87] : memref<3200000xi32, #tpu.memory_space<hbm>> -> memref<4096xi32, #tpu.memory_space<hbm>>
    tpu.wait_dma2 semaphore(%dma_wait3A_91 : memref<!tpu.dma_semaphore, #tpu.memory_space<semaphore_mem>>) src(%arg11 : memref<4096xi32, #tpu.memory_space<vmem>>) dst(%dma_wait3A_92 : memref<4096xi32, #tpu.memory_space<hbm>>)
    %sub3A_93 = arith.constant 1 : i32
    %sub3A_94 = arith.subi %select_n3A, %sub3A_93 : i32
    %sub3A_95 = arith.constant 1 : i32
    %sub3A_96 = arith.subi %select_n3A, %sub3A_95 : i32
    %sub3A_97 = arith.constant 2 : i32
    %sub3A_98 = arith.subi %sub3A_96, %sub3A_97 : i32
    %rem3A_99 = arith.constant 3 : i32
    %rem3A_100 = arith.remsi %sub3A_98, %rem3A_99 : i32
    %sub3A_101 = arith.subi %sub3A_94, %rem3A_100 : i32
    %mul3A_102 = arith.constant 32 : i32
    %mul3A_103 = arith.muli %mul3A_102, %sub3A_101 : i32
    %add3A_104 = arith.addi %add3A, %mul3A_103 : i32
    %mul3A_105 = arith.constant 4096 : i32
    %mul3A_106 = arith.muli %add3A_104, %mul3A_105 : i32
    %dma_wait3A_107 = arith.constant 2 : i32
    %dma_wait3A_108 = tpu.memref_slice %arg4[%mul3A_106] : memref<3200000xi32, #tpu.memory_space<hbm>> -> memref<4096xi32, #tpu.memory_space<hbm>>
    %dma_wait3A_109 = tpu.memref_slice %arg17[%dma_wait3A_107] : memref<3x!tpu.dma_semaphore, #tpu.memory_space<semaphore_mem>> -> memref<1x!tpu.dma_semaphore, #tpu.memory_space<semaphore_mem>>
    %dma_wait3A_110 = tpu.memref_squeeze %dma_wait3A_109 : memref<1x!tpu.dma_semaphore, #tpu.memory_space<semaphore_mem>> -> memref<!tpu.dma_semaphore, #tpu.memory_space<semaphore_mem>>
    %dma_wait3A_111 = tpu.memref_slice %arg4[%mul3A_106] : memref<3200000xi32, #tpu.memory_space<hbm>> -> memref<4096xi32, #tpu.memory_space<hbm>>
    tpu.wait_dma2 semaphore(%dma_wait3A_110 : memref<!tpu.dma_semaphore, #tpu.memory_space<semaphore_mem>>) src(%arg12 : memref<4096xi32, #tpu.memory_space<vmem>>) dst(%dma_wait3A_111 : memref<4096xi32, #tpu.memory_space<hbm>>)
    %eq3A = arith.constant 13 : i32
    %eq3A_112 = arith.cmpi eq, %add3A, %eq3A : i32
    %convert_element_type3A = arith.extui %eq3A_112 : i1 to i32
    %cond3A = arith.constant 0 : i32
    %cond3A_113 = arith.cmpi ne, %convert_element_type3A, %cond3A : i32
    scf.if %cond3A_113 {
      "tpu.region"() ({
        %run_scoped3A = tpu.sem_alloc : memref<!tpu.dma_semaphore, #tpu.memory_space<semaphore_mem>>
        %dma_start3A_125 = arith.constant 0 : i32
        %dma_start3A_126 = arith.constant 99968 : i32
        %dma_start3A_127 = tpu.memref_slice %arg2[%dma_start3A_125, %dma_start3A_126] : memref<64x100000xf32, #tpu.memory_space<hbm>> -> memref<64x32xf32, #tpu.memory_space<hbm>>
        %dma_start3A_128 = arith.constant 0 : i32
        %dma_start3A_129 = arith.constant 99968 : i32
        %dma_start3A_130 = tpu.memref_slice %arg2[%dma_start3A_128, %dma_start3A_129] : memref<64x100000xf32, #tpu.memory_space<hbm>> -> memref<64x32xf32, #tpu.memory_space<hbm>>
        tpu.enqueue_dma source(%dma_start3A_130 : memref<64x32xf32, #tpu.memory_space<hbm>>) target(%arg9 : memref<64x32xf32, #tpu.memory_space<vmem>>) target_semaphore(%run_scoped3A : memref<!tpu.dma_semaphore, #tpu.memory_space<semaphore_mem>>)
        %dma_wait3A_131 = arith.constant 0 : i32
        %dma_wait3A_132 = arith.constant 99968 : i32
        %dma_wait3A_133 = tpu.memref_slice %arg2[%dma_wait3A_131, %dma_wait3A_132] : memref<64x100000xf32, #tpu.memory_space<hbm>> -> memref<64x32xf32, #tpu.memory_space<hbm>>
        %dma_wait3A_134 = arith.constant 0 : i32
        %dma_wait3A_135 = arith.constant 99968 : i32
        %dma_wait3A_136 = tpu.memref_slice %arg2[%dma_wait3A_134, %dma_wait3A_135] : memref<64x100000xf32, #tpu.memory_space<hbm>> -> memref<64x32xf32, #tpu.memory_space<hbm>>
        tpu.wait_dma2 semaphore(%run_scoped3A : memref<!tpu.dma_semaphore, #tpu.memory_space<semaphore_mem>>) src(%dma_wait3A_136 : memref<64x32xf32, #tpu.memory_space<hbm>>) dst(%arg9 : memref<64x32xf32, #tpu.memory_space<vmem>>)
        tpu.yield
      }) : () -> ()
      %scan3A_116 = arith.constant 0 : i32
      %scan3A_117 = arith.constant 0 : i32
      %scan3A_118 = arith.constant 2 : i32
      %scan3A_119 = arith.addi %scan3A_117, %scan3A_118 : i32
      %scan3A_120 = arith.constant 1 : i32
      scf.for %scan3A_125 = %scan3A_117 to %scan3A_119 step %scan3A_120  : i32 {
        %mul3A_126 = arith.constant 16 : i32
        %mul3A_127 = arith.muli %scan3A_125, %mul3A_126 : i32
        %add3A_128 = vector.broadcast %mul3A_127 : i32 to vector<16xi32>
        %add3A_129 = arith.addi %iota3A, %add3A_128 : vector<16xi32>
        %mul3A_130 = arith.constant 33 : i32
        %mul3A_131 = vector.broadcast %mul3A_130 : i32 to vector<16xi32>
        %mul3A_132 = arith.muli %add3A_129, %mul3A_131 : vector<16xi32>
        %parallel_loop3A_133 = arith.constant 0 : i32
        %parallel_loop3A_134 = arith.constant 32 : i32
        %parallel_loop3A_135 = arith.constant 1 : i32
        scf.for %parallel_loop3A_136 = %parallel_loop3A_133 to %parallel_loop3A_134 step %parallel_loop3A_135  : i32 {
          %parallel_loop3A_137 = arith.constant 2 : i32
          %parallel_loop3A_138 = arith.muli %parallel_loop3A_137, %parallel_loop3A_136 : i32
          %parallel_loop3A_139 = arith.index_cast %parallel_loop3A_138 : i32 to index
          %parallel_loop3A_140 = arith.index_cast %mul3A_127 : i32 to index
          %parallel_loop3A_141 = tpu.vector_load %arg9[%parallel_loop3A_139, %parallel_loop3A_140] {strides = array<i32>} : memref<64x32xf32, #tpu.memory_space<vmem>>, vector<16xf32>,
          %parallel_loop3A_142 = arith.constant 2 : i32
          %parallel_loop3A_143 = arith.muli %parallel_loop3A_142, %parallel_loop3A_136 : i32
          %parallel_loop3A_144 = arith.constant 1 : i32
          %parallel_loop3A_145 = arith.addi %parallel_loop3A_143, %parallel_loop3A_144 : i32
          %parallel_loop3A_146 = arith.index_cast %parallel_loop3A_145 : i32 to index
          %parallel_loop3A_147 = arith.index_cast %mul3A_127 : i32 to index
          %parallel_loop3A_148 = tpu.vector_load %arg9[%parallel_loop3A_146, %parallel_loop3A_147] {strides = array<i32>} : memref<64x32xf32, #tpu.memory_space<vmem>>, vector<16xf32>,
          %parallel_loop3A_149 = vector.broadcast %parallel_loop3A_136 : i32 to vector<16xi32>
          %parallel_loop3A_150 = arith.addi %mul3A_132, %parallel_loop3A_149 : vector<16xi32>
          %parallel_loop3A_151 = vector.bitcast %parallel_loop3A_141 : vector<16xf32> to vector<16xi32>
          %parallel_loop3A_152 = vector.bitcast %parallel_loop3A_148 : vector<16xf32> to vector<16xi32>
          %parallel_loop3A_153 = arith.constant 16 : i32
          %parallel_loop3A_154 = vector.broadcast %parallel_loop3A_153 : i32 to vector<16xi32>
          %parallel_loop3A_155 = arith.shrui %parallel_loop3A_151, %parallel_loop3A_154 : vector<16xi32>
          %parallel_loop3A_156 = arith.constant 1 : i32
          %parallel_loop3A_157 = vector.broadcast %parallel_loop3A_156 : i32 to vector<16xi32>
          %parallel_loop3A_158 = arith.andi %parallel_loop3A_155, %parallel_loop3A_157 : vector<16xi32>
          %parallel_loop3A_159 = arith.constant 32767 : i32
          %parallel_loop3A_160 = vector.broadcast %parallel_loop3A_159 : i32 to vector<16xi32>
          %parallel_loop3A_161 = arith.addi %parallel_loop3A_160, %parallel_loop3A_158 : vector<16xi32>
          %parallel_loop3A_162 = arith.addi %parallel_loop3A_151, %parallel_loop3A_161 : vector<16xi32>
          %parallel_loop3A_163 = arith.constant 16 : i32
          %parallel_loop3A_164 = vector.broadcast %parallel_loop3A_163 : i32 to vector<16xi32>
          %parallel_loop3A_165 = arith.shrui %parallel_loop3A_152, %parallel_loop3A_164 : vector<16xi32>
          %parallel_loop3A_166 = arith.constant 1 : i32
          %parallel_loop3A_167 = vector.broadcast %parallel_loop3A_166 : i32 to vector<16xi32>
          %parallel_loop3A_168 = arith.andi %parallel_loop3A_165, %parallel_loop3A_167 : vector<16xi32>
          %parallel_loop3A_169 = arith.constant 32767 : i32
          %parallel_loop3A_170 = vector.broadcast %parallel_loop3A_169 : i32 to vector<16xi32>
          %parallel_loop3A_171 = arith.addi %parallel_loop3A_170, %parallel_loop3A_168 : vector<16xi32>
          %parallel_loop3A_172 = arith.addi %parallel_loop3A_152, %parallel_loop3A_171 : vector<16xi32>
          %parallel_loop3A_173 = arith.constant 16 : i32
          %parallel_loop3A_174 = vector.broadcast %parallel_loop3A_173 : i32 to vector<16xi32>
          %parallel_loop3A_175 = arith.shrui %parallel_loop3A_162, %parallel_loop3A_174 : vector<16xi32>
          %parallel_loop3A_176 = arith.constant -65536 : i32
          %parallel_loop3A_177 = vector.broadcast %parallel_loop3A_176 : i32 to vector<16xi32>
          %parallel_loop3A_178 = arith.andi %parallel_loop3A_172, %parallel_loop3A_177 : vector<16xi32>
          %parallel_loop3A_179 = arith.ori %parallel_loop3A_175, %parallel_loop3A_178 : vector<16xi32>
          tpu.vector_store_idx %arg13[%parallel_loop3A_150], %parallel_loop3A_179 : memref<4224xi32, #tpu.memory_space<vmem>>[vector<16xi32>], vector<16xi32>,
        } {sc.loop_unroll_factor = 4 : i64, sc.parallel_access}
      }
      %scan3A_121 = arith.constant 2 : i32
      %parallel_loop3A_122 = arith.constant 0 : i32
      %parallel_loop3A_123 = arith.constant 32 : i32
      %parallel_loop3A_124 = arith.constant 1 : i32
      scf.for %parallel_loop3A_125 = %parallel_loop3A_122 to %parallel_loop3A_123 step %parallel_loop3A_124  : i32 {
        %parallel_loop3A_126 = arith.constant 33 : i32
        %parallel_loop3A_127 = arith.muli %parallel_loop3A_125, %parallel_loop3A_126 : i32
        %parallel_loop3A_128 = vector.broadcast %parallel_loop3A_127 : i32 to vector<16xi32>
        %parallel_loop3A_129 = arith.addi %parallel_loop3A_128, %iota3A : vector<16xi32>
        %parallel_loop3A_130 = tpu.vector_load_idx %arg13[%parallel_loop3A_129] : memref<4224xi32, #tpu.memory_space<vmem>>[vector<16xi32>], vector<16xi32>,
        %parallel_loop3A_131 = arith.constant 33 : i32
        %parallel_loop3A_132 = arith.muli %parallel_loop3A_125, %parallel_loop3A_131 : i32
        %parallel_loop3A_133 = arith.constant 16 : i32
        %parallel_loop3A_134 = arith.addi %parallel_loop3A_132, %parallel_loop3A_133 : i32
        %parallel_loop3A_135 = vector.broadcast %parallel_loop3A_134 : i32 to vector<16xi32>
        %parallel_loop3A_136 = arith.addi %parallel_loop3A_135, %iota3A : vector<16xi32>
        %parallel_loop3A_137 = tpu.vector_load_idx %arg13[%parallel_loop3A_136] : memref<4224xi32, #tpu.memory_space<vmem>>[vector<16xi32>], vector<16xi32>,
        %parallel_loop3A_138 = arith.constant 32 : i32
        %parallel_loop3A_139 = arith.muli %parallel_loop3A_125, %parallel_loop3A_138 : i32
        %parallel_loop3A_140 = arith.index_cast %parallel_loop3A_139 : i32 to index
        %parallel_loop3A_141 = tpu.vector_load %arg10[%parallel_loop3A_140] {strides = array<i32>} : memref<4096xi32, #tpu.memory_space<vmem>>, vector<16xi32>,
        tpu.vector_store %arg10[%parallel_loop3A_140], %parallel_loop3A_130 {strides = array<i32>} : memref<4096xi32, #tpu.memory_space<vmem>>, vector<16xi32>,
        %parallel_loop3A_142 = arith.constant 32 : i32
        %parallel_loop3A_143 = arith.muli %parallel_loop3A_125, %parallel_loop3A_142 : i32
        %parallel_loop3A_144 = arith.constant 16 : i32
        %parallel_loop3A_145 = arith.addi %parallel_loop3A_143, %parallel_loop3A_144 : i32
        %parallel_loop3A_146 = arith.index_cast %parallel_loop3A_145 : i32 to index
        %parallel_loop3A_147 = tpu.vector_load %arg10[%parallel_loop3A_146] {strides = array<i32>} : memref<4096xi32, #tpu.memory_space<vmem>>, vector<16xi32>,
        tpu.vector_store %arg10[%parallel_loop3A_146], %parallel_loop3A_137 {strides = array<i32>} : memref<4096xi32, #tpu.memory_space<vmem>>, vector<16xi32>,
      } {sc.loop_unroll_factor = 4 : i64, sc.parallel_access}
      "tpu.region"() ({
        %run_scoped3A = tpu.sem_alloc : memref<!tpu.dma_semaphore, #tpu.memory_space<semaphore_mem>>
        %dma_start3A_125 = arith.constant 0 : i32
        %dma_start3A_126 = tpu.memref_slice %arg10[%dma_start3A_125] : memref<4096xi32, #tpu.memory_space<vmem>> -> memref<1024xi32, #tpu.memory_space<vmem>>
        %dma_start3A_127 = arith.constant 3198976 : i32
        %dma_start3A_128 = tpu.memref_slice %arg4[%dma_start3A_127] : memref<3200000xi32, #tpu.memory_space<hbm>> -> memref<1024xi32, #tpu.memory_space<hbm>>
        %dma_start3A_129 = arith.constant 3198976 : i32
        %dma_start3A_130 = tpu.memref_slice %arg4[%dma_start3A_129] : memref<3200000xi32, #tpu.memory_space<hbm>> -> memref<1024xi32, #tpu.memory_space<hbm>>
        %dma_start3A_131 = arith.constant 0 : i32
        %dma_start3A_132 = tpu.memref_slice %arg10[%dma_start3A_131] : memref<4096xi32, #tpu.memory_space<vmem>> -> memref<1024xi32, #tpu.memory_space<vmem>>
        tpu.enqueue_dma source(%dma_start3A_132 : memref<1024xi32, #tpu.memory_space<vmem>>) target(%dma_start3A_130 : memref<1024xi32, #tpu.memory_space<hbm>>) target_semaphore(%run_scoped3A : memref<!tpu.dma_semaphore, #tpu.memory_space<semaphore_mem>>)
        %dma_wait3A_133 = arith.constant 0 : i32
        %dma_wait3A_134 = tpu.memref_slice %arg10[%dma_wait3A_133] : memref<4096xi32, #tpu.memory_space<vmem>> -> memref<1024xi32, #tpu.memory_space<vmem>>
        %dma_wait3A_135 = arith.constant 3198976 : i32
        %dma_wait3A_136 = tpu.memref_slice %arg4[%dma_wait3A_135] : memref<3200000xi32, #tpu.memory_space<hbm>> -> memref<1024xi32, #tpu.memory_space<hbm>>
        %dma_wait3A_137 = arith.constant 3198976 : i32
        %dma_wait3A_138 = tpu.memref_slice %arg4[%dma_wait3A_137] : memref<3200000xi32, #tpu.memory_space<hbm>> -> memref<1024xi32, #tpu.memory_space<hbm>>
        %dma_wait3A_139 = arith.constant 0 : i32
        %dma_wait3A_140 = tpu.memref_slice %arg10[%dma_wait3A_139] : memref<4096xi32, #tpu.memory_space<vmem>> -> memref<1024xi32, #tpu.memory_space<vmem>>
        tpu.wait_dma2 semaphore(%run_scoped3A : memref<!tpu.dma_semaphore, #tpu.memory_space<semaphore_mem>>) src(%dma_wait3A_140 : memref<1024xi32, #tpu.memory_space<vmem>>) dst(%dma_wait3A_138 : memref<1024xi32, #tpu.memory_space<hbm>>)
        tpu.yield
      }) : () -> ()
    } else {
    }
    %dma_wait3A_114 = tpu.memref_slice %arg5[%mul3A_49] : memref<819200xi32, #tpu.memory_space<hbm>> -> memref<25600xi32, #tpu.memory_space<hbm>>
    %dma_wait3A_115 = tpu.memref_slice %arg5[%mul3A_49] : memref<819200xi32, #tpu.memory_space<hbm>> -> memref<25600xi32, #tpu.memory_space<hbm>>
    tpu.wait_dma2 semaphore(%arg18 : memref<!tpu.dma_semaphore, #tpu.memory_space<semaphore_mem>>) src(%arg15 : memref<25600xi32, #tpu.memory_space<vmem>>) dst(%dma_wait3A_115 : memref<25600xi32, #tpu.memory_space<hbm>>)
    return
  }
}

</mosaic_0001>

<sc_bundles>
// kernel: _conv.3.cloned.1.call-start
scs
__scs_entry_jumppad:
0x0: {  	(pc) =	sbr.rel $0x88, $3  }
0x1: {  	(tag) =	ssettag $0x0;
	lr =	simm.s32 $0x1  }
0x2: {  	[smem:$0x3F9F] =	sst lr;
	_ =	strace $0xD0000000  }
0x3: {  	_ = 	snop  }
0x4: {  	_ = 	snop  }
0x5: {  	_ = 	snop  }
0x6: {  	_ = 	snop  }
0x7: {  	_ = 	snop  }
__scs_overlays_trampoline_lowered:
0x8: {  	[smem:$0x3FAE] =	sst s0  }
0x9: {  	[smem:$0x3FAF] =	sst s1  }
0xa: {  	[smem:$0x3FB0] =	sst s2  }
0xb: {  	[smem:$0x3FB1] =	sst s3  }
0xc: {  	[smem:$0x3FB2] =	sst s4  }
0xd: {  	[smem:$0x3FB3] =	sst s5  }
0xe: {  	[smem:$0x3FB4] =	sst s6  }
0xf: {  	[smem:$0x3FB5] =	sst s7  }
0x10: {  	[smem:$0x3FB6] =	sst s8  }
0x11: {  	[smem:$0x3FB7] =	sst s9;
	s0 =	simm.s32 @!p0 $0x0  }
0x12: {  	s1 =	sld [smem:$0x3F9D];
	s0 =	simm.s32 @p0 $0x1  }
0x13: {  	[smem:$0x3FB8] =	sst s0;
	s0 =	simm.s32 @!p1 $0x0  }
0x14: {  	s2 =	sld [smem:$0x3F9C];
	s0 =	simm.s32 @p1 $0x1  }
0x15: {  	[smem:$0x3FB9] =	sst s0;
	s0 =	simm.s32 @!p2 $0x0  }
0x16: {  	s3 =	sld [smem:$0x3FDB];
	s0 =	simm.s32 @p2 $0x1  }
0x17: {  	s4 =	simm.s32 $0x1BF5;
	[smem:$0x3FBB] =	sst s0  }
0x18: {  	s0 =	sld [smem:$0x3F9E];
	_ =	swait.ge [sflag:s4], $0x0  }
0x19: {  	s7 =	sld [smem:$0x3F9F]  }
0x1a: {  	s8 =	sadd.s32 $0xFFFFE003, lr  }
0x1b: {  	s9 =	sadd.s32 $0xFFFFFEF7, lr;
	s5 =	simm.s32 $0xFFFFFFFF;
	p2 =	slt.u32 s8, $0xFFFFF086  }
0x1c: {  	p1 =	slt.u32 s9, $0xF7A;
	s5 =	simm.s32 @!p2 $0x0  }
0x1d: {  	s5 =	simm.s32 @p1 $0x1;
	p0 =	seq.s32 s7, s2  }
0x1e: {  	s7 =	smul.u32 @!p0 $0xF7A, s2;
	p2 =	seq.s32 @!p0 s5, $0x0  }
0x1f: {  	s9 =	smul.u32 $0xF7A, s1;
	s8 =	simm.s32 @!p0 $0x1BF5;
	p2 =	por !p2, p0  }
0x20: {  	[sflag:s8] =	ssyncset.s32 @!p0 $0xFFFFF086;
	s6 =	sadd.s32 @!p0 s3, s7;
	s7 =	simm.s32 @!p0 $0x108  }
0x21: {  	s3 =	sadd.s32 s3, s9;
	s6 =	sadd.s32 @!p0 $0x88, s6;
	s7 =	simm.s32 @p2 $0x1082  }
0x22: {  	[simem:s7], [sflag:s8] =	dma.local @!p0 [hbm:s6], $0xF7A  }
0x23: {  	s9 =	sor.u32 $0xD0000000, s2;
	s6 =	simm.s32 $0x108;
	_ =	swait.ge @!p0 [sflag:s8], $0x0  }
0x24: {  	s3 =	sadd.s32 $0x88, s3;
	s6 =	simm.s32 @!p1 $0x1082;
	[sflag:s4] =	ssyncset.s32 $0xFFFFF086  }
0x25: {  	[simem:s6], [sflag:s4] =	dma.local [hbm:s3], $0xF7A  }
0x26: {  	[smem:$0x3F9F] =	sst s1;
	(tag) =	ssettag s2;
	_ =	strace s9  }
0x27: {  	s1 =	sld [smem:$0x3FAF]  }
0x28: {  	s2 =	sld [smem:$0x3FB0]  }
0x29: {  	s4 =	sld [smem:$0x3FB2]  }
0x2a: {  	p0 =	seq.s32 s5, $0x0;
	s5 =	sld [smem:$0x3FB3]  }
0x2b: {  	s6 =	sld [smem:$0x3FB4]  }
0x2c: {  	s7 =	sld [smem:$0x3FB5]  }
0x2d: {  	s3 =	simm.s32 $0x108;
	s8 =	sld [smem:$0x3FB6]  }
0x2e: {  	s3 =	simm.s32 @!p0 $0x1082;
	s9 =	sld [smem:$0x3FB7]  }
0x2f: {  	lr =	sadd.s32 s0, s3;
	s0 =	sld [smem:$0x3FAE]  }
0x30: {  	s3 =	sld [smem:$0x3FB1]  }
0x31: {  	[smem:$0x3FBA] =	sst s10  }
0x32: {  	s10 =	sld [smem:$0x3FB8];
	_ =	sdelay $0x3  }
0x33: {  	p0 =	seq.s32 s10, $0x1;
	s10 =	sld [smem:$0x3FBA];
	_ =	sdelay $0x3  }
0x34: {  	[smem:$0x3FBA] =	sst s10  }
0x35: {  	s10 =	sld [smem:$0x3FB9];
	_ =	sdelay $0x3  }
0x36: {  	p1 =	seq.s32 s10, $0x1;
	s10 =	sld [smem:$0x3FBA];
	_ =	sdelay $0x3  }
0x37: {  	[smem:$0x3FBA] =	sst s10  }
0x38: {  	s10 =	sld [smem:$0x3FBB]  }
0x39: {  	_ = 	snop;
	(pc) =	sbr.ind lr, $3  }
0x3a: {  	_ = 	snop  }
0x3b: {  	_ = 	snop  }
0x3c: {  	p2 =	seq.s32 s10, $0x1;
	s10 =	sld [smem:$0x3FBA]  }
0x3d: {  	_ =	shalt  }
0x3e: {  	_ =	shalt  }
0x3f: {  	_ =	shalt  }
0x40: {  	_ =	shalt  }
0x41: {  	_ =	shalt  }
0x42: {  	_ =	shalt  }
0x43: {  	_ =	shalt  }
0x44: {  	_ =	shalt  }
0x45: {  	_ =	shalt  }
0x46: {  	_ =	shalt  }
0x47: {  	_ =	shalt  }
0x48: {  	_ =	shalt  }
0x49: {  	_ =	shalt  }
0x4a: {  	_ =	shalt  }
0x4b: {  	_ =	shalt  }
0x4c: {  	_ =	shalt  }
0x4d: {  	_ =	shalt  }
0x4e: {  	_ =	shalt  }
0x4f: {  	_ =	shalt  }
0x50: {  	_ =	shalt  }
0x51: {  	_ =	shalt  }
0x52: {  	_ =	shalt  }
0x53: {  	_ =	shalt  }
0x54: {  	_ =	shalt  }
0x55: {  	_ =	shalt  }
0x56: {  	_ =	shalt  }
0x57: {  	_ =	shalt  }
0x58: {  	_ =	shalt  }
0x59: {  	_ =	shalt  }
0x5a: {  	_ =	shalt  }
0x5b: {  	_ =	shalt  }
0x5c: {  	_ =	shalt  }
0x5d: {  	_ =	shalt  }
0x5e: {  	_ =	shalt  }
0x5f: {  	_ =	shalt  }
0x60: {  	_ =	shalt  }
0x61: {  	_ =	shalt  }
0x62: {  	_ =	shalt  }
0x63: {  	_ =	shalt  }
0x64: {  	_ =	shalt  }
0x65: {  	_ =	shalt  }
0x66: {  	_ =	shalt  }
0x67: {  	_ =	shalt  }
0x68: {  	_ =	shalt  }
0x69: {  	_ =	shalt  }
0x6a: {  	_ =	shalt  }
0x6b: {  	_ =	shalt  }
0x6c: {  	_ =	shalt  }
0x6d: {  	_ =	shalt  }
0x6e: {  	_ =	shalt  }
0x6f: {  	_ =	shalt  }
0x70: {  	_ =	shalt  }
0x71: {  	_ =	shalt  }
0x72: {  	_ =	shalt  }
0x73: {  	_ =	shalt  }
0x74: {  	_ =	shalt  }
0x75: {  	_ =	shalt  }
0x76: {  	_ =	shalt  }
0x77: {  	_ =	shalt  }
0x78: {  	_ =	shalt  }
0x79: {  	_ =	shalt  }
0x7a: {  	_ =	shalt  }
0x7b: {  	_ =	shalt  }
0x7c: {  	_ =	shalt  }
0x7d: {  	_ =	shalt  }
0x7e: {  	_ =	shalt  }
0x7f: {  	_ =	shalt  }
0x80: {  	_ =	shalt  }
0x81: {  	_ =	shalt  }
0x82: {  	_ =	shalt  }
0x83: {  	_ =	shalt  }
0x84: {  	_ =	shalt  }
0x85: {  	_ =	shalt  }
0x86: {  	_ =	shalt  }
0x87: {  	_ =	shalt  }
.Lfunc_end0:
.L_simem_size_0:
called_computation_lowered:
.L_overlay_start_0:
0x88: {  	s2 =	sld [smem:$0x3FD9]  }
0x89: {  	s3 =	sld [smem:$0x3FFE];
	_ =	sdelay $0x1  }
0x8a: {  	s1 =	srdreg.scid  }
0x8b: {  	s0 =	sand.u32 $0x1, s1  }
0x8c: {  	s15 =	sshll.u32 s0, $0xA;
	s2 =	sadd.s32 s3, s2  }
0x8d: {  	s2 =	sadd.s32 s2, s15  }
0x8e: {  	[smem:$0x3FC6] =	sst s2  }
0x8f: {  	_ = 	snop  }
0x90: {  	s2 =	sld [smem:$0x3FD0];
	_ =	sdelay $0x1  }
0x91: {  	s16 =	sld [smem:$0x3FC9]  }
0x92: {  	s5 =	simm.s32 $0xA;
	s6 =	simm.s32 $0x10;
	s4 =	sld [smem:$0x3FC8]  }
0x93: {  	[smem:s6], [sflag:s5] =	dma.local [hbm:s2], $0x1  }
0x94: {  	_ =	swait.eq [sflag:s5], $0x1  }
0x95: {  	[sflag:s5] =	ssyncset.done $0x0  }
0x96: {  	s17 =	sld [smem:$0x10];
	[sflag:s5] =	ssyncadd.s32 $0xFFFFFFFF  }
0x97: {  	s18 =	sld [smem:$0x11];
	(tm) =	ssettm $0x1  }
0x98: {  	s19 =	sld [smem:$0x3FFB];
	_ =	sdelay $0x3  }
0x99: {  	_ =	strace s19  }
0x9a: {  	s6 =	sld [smem:$0x3FFC];
	_ =	sdelay $0x3  }
0x9b: {  	_ =	strace s6  }
0x9c: {  	s6 =	sld [smem:$0x3FFD];
	_ =	sdelay $0x3  }
0x9d: {  	_ =	strace s6  }
0x9e: {  	_ =	strace $0x8FFFFFFF  }
0x9f: {  	s20 =	sld [smem:$0x3FDB];
	_ =	sdelay $0x1  }
0xa0: {  	s7 =	simm.s32 $_scs_section_size  }
0xa1: {  	s8 =	simm.s32 $_size__tile_overlayer_lowered;
	s9 =	simm.s32 $_tile_overlayer_lowered  }
0xa2: {  	s23 =	simm.s32 $0x1BFF;
	s22 =	sshll.u32 s9, $0x1;
	s6 =	sadd.s32 s7, s20  }
0xa3: {  	s10 =	simm.s32 $0x0;
	s21 =	sshll.u32 s8, $0x1;
	s8 =	sadd.s32 s22, s6  }
0xa4: {  	[timem:s10], [sflag:s23] =	dma.local [hbm:s8], s21  }
0xa5: {  	_ =	swait.ge [sflag:s23], s21  }
0xa6: {  	s7 =	ssub.s32 $0x0, s21;
	[sflag:s23] =	ssyncset.done $0x0  }
0xa7: {  	[sflag:s23] =	ssyncadd.s32 s7;
	_ =	sdelay $0x1  }
0xa8: {  	s24 =	simm.s32 $0x1B8B  }
0xa9: {  	_ =	swait.ge [sflag:s24], $0x1  }
0xaa: {  	[sflag:s24] =	ssyncset.done $0x0  }
0xab: {  	s25 =	simm.s32 $0x1B8E;
	[sflag:s24] =	ssyncadd.s32 $0xFFFFFFFF  }
0xac: {  	s26 =	simm.s32 $execute0_lowered;
	[smem:$0x3FD2] =	sst s25  }
0xad: {  	s7 =	sshll.u32 s26, $0x1;
	_ =	strace $0x80000046;
	[dreg:$0x1] =	wrdreg $0xFFFFFFFF  }
0xae: {  	s28 =	simm.s32 $_size_execute0_lowered;
	s6 =	sadd.s32 s6, s7;
	[dreg:$0x0] =	wrdreg $0x0  }
0xaf: {  	s7 =	sshll.u32 s28, $0x1;
	[dreg:$0x2] =	wrdreg s6  }
0xb0: {  	[dreg:$0x3] =	wrdreg s7  }
0xb1: {  	[dreg:$0x4] =	wrdreg $0xC0  }
0xb2: {  	_ =	task [dreg:s10], $0x5FFFF  }
0xb3: {  	[dreg:$0x1] =	wrdreg $0xFFFFFFFF  }
0xb4: {  	[dreg:$0x0] =	wrdreg $0x60  }
0xb5: {  	[dreg:$0x2] =	wrdreg s16  }
0xb6: {  	[dreg:$0x3] =	wrdreg s4  }
0xb7: {  	[dreg:$0x4] =	wrdreg s17  }
0xb8: {  	[dreg:$0x5] =	wrdreg s18  }
0xb9: {  	[dreg:$0x6] =	wrdreg $0x9  }
0xba: {  	_ =	task.clear_ibuf [dreg:s10], $0x7FFFF;
	_ =	strace $0x90000046  }
0xbb: {  	s29 =	simm.s32 $0x9;
	_ =	strace $0x80000048  }
0xbc: {  	_ =	swait.ge [sflag:s29], $0x1  }
0xbd: {  	[sflag:s29] =	ssyncadd.s32 $0xFFFFFFFF  }
0xbe: {  	_ =	strace $0x90000048  }
0xbf: {  	_ =	sfence  }
0xc0: {  	s30 =	sld [smem:$0x0];
	_ =	sdelay $0x2  }
0xc1: {  	s31 =	sshll.u32 s1, $0xD;
	s1 =	sshrl.u32 s1, $0x2  }
0xc2: {  	s3 =	sand.u32 $0x4000, s31;
	s1 =	sadd.s32 s1, s30  }
0xc3: {  	s0 =	sor.u32 s3, s0;
	s1 =	sshll.u32 s1, $0x11  }
0xc4: {  	s0 =	sor.u32 s1, s0  }
0xc5: {  	s0 =	sadd.s32 $0x8F2B, s0  }
0xc6: {  	[sflag:s0] =	ssyncadd.remote.s32 $0x1  }
0xc7: {  	_ =	sfence.sel $0xFFFF  }
0xc8: {  	[dreg:$0x0] =	wrdreg $0xFFFFFFFF;
	(pc) =	sbr.abs _section_cstart, $3  }
0xc9: {  	[dreg:$0x1] =	wrdreg $0xFFFFFFFF  }
0xca: {  	_ =	task.clear_ibuf [dreg:s10], $0x2FFFF;
	_ =	strace $0x9FFFFFFF  }
0xcb: {  	(tm) =	ssettm $0x7FFFFFFF  }
tec
execute0_lowered:
.L_overlay_start_1:
0x0: {  	(tag) =	ssettag $0x1  }
0x1: {  	s0 =	rddreg [dreg:$0x0]  }
0x2: {  	s2 =	rddreg [dreg:$0x1]  }
0x3: {  	s1 =	rddreg [dreg:$0x2]  }
0x4: {  	s6 =	rddreg [dreg:$0x3]  }
0x5: {  	s4 =	srdreg.scid;
	s3 =	simm.s32 $0x0;
	s7 =	stileid.u32  }
0x6: {  	s19 =	simm.s32 $0x8000;
	s17 =	simm.s32 $0x7;
	s28 =	simm.s32 $0xB000  }
0x7: {  	s29 =	simm.s32 $0x2;
	s30 =	simm.s32 $0x9000;
	s31 =	simm.s32 $0x3  }
0x8: {  	s15 =	simm.s32 $0x0;
	s4 =	sand.u32 $0x1, s4;
	[smem:$0x7FF] =	sst s3  }
0x9: {  	s7 =	sshll.u32 s7, $0x1;
	s14 =	sadd.s32 $0x3000, s0;
	s25 =	sadd.s32 $0x61A00, s1  }
0xa: {  	s5 =	ssub.s32 $0x2, s4;
	_ =	strace $0x80000047;
	s4 =	sor.u32 s4, s7  }
0xb: {  	[dreg:$0xb] =	wrdreg s25;
	s25 =	simm.s32 $0x12480;
	s8 =	sshrl.u32 s5, $0x1  }
0xc: {  	p0 =	slt.u32 s4, $0xD;
	s21 =	sshll.u32 s4, $0x7;
	s9 =	smul.u32 $0xC80, s4  }
0xd: {  	s20 =	ssub.s32 s5, s8;
	s5 =	simm.s32 $0x19;
	s2 =	sadd.s32 s2, s21  }
0xe: {  	s10 =	sadd.s32 s0, s21;
	s0 =	sadd.s32 $0x18680, s0;
	[dreg:$0x6] =	wrdreg s2  }
0xf: {  	s5 =	simm.s32 @!p0 $0x18;
	s22 =	sadd.s32 $0x1000, s10;
	[dreg:$0x5] =	wrdreg s10  }
.Ltmp0:
0x10: {  	s23 =	sadd.s32 $0x2000, s10;
	[dreg:$0xa] =	wrdreg s0;
	(pc) =	sbr.rel .LBB2_1-.Ltmp0, $4  }
0x11: {  	s24 =	sadd.s32 s6, s9;
	s26 =	smax.u32 s20, $0x1;
	[dreg:$0x7] =	wrdreg s22  }
0x12: {  	p0 =	sne.s32 s4, $0xD;
	s0 =	simm.s32 $0xA000;
	[dreg:$0x8] =	wrdreg s23  }
0x13: {  	v0 =	vlaneseq.u32;
	[dreg:$0x9] =	wrdreg s24;
	s11 =	sadd.s32 $0xFFFFFFFD, s5;
	s12 =	sadd.s32 $0xFFFFFFFC, s5  }
0x14: {  	v1 =	vmul.u32 $0xC8, v0;
	v2 =	vmul.u32 $0x21, v0;
	s13 =	sadd.s32 $0xFFFFFFFB, s5;
	[dreg:$0xc] =	wrdreg s26;
	s26 =	simm.s32 $0x1  }
.LBB2_37:
0x15: {  	_ =	swait.ge [sflag:s17], $0x6400  }
0x16: {  	s15 =	sadd.s32 $0x1, s15;
	s2 =	rddreg [dreg:$0xc]  }
0x17: {  	p1 =	sne.s32 s15, s2  }
.Ltmp1:
0x18: {  	_ = 	snop;
	(pc) =	sbr.rel @!p1 .LBB2_38-.Ltmp1, $3  }
0x19: {  	_ =	sdelay $0x1  }
0x1a: {  	[sflag:s17] =	ssyncset.done $0x0  }
0x1b: {  	[sflag:s17] =	ssyncadd.s32 $0xFFFF9C00  }
.LBB2_1:
0x1c: {  	s2 =	rddreg [dreg:$0x6]  }
0x1d: {  	s9 =	simm.s32 $0x400;
	s6 =	simm.s32 $0xC080;
	s7 =	rddreg [dreg:$0x5]  }
0x1e: {  	[tilespmem:s6], [sflag:$0x7] =	stream.strided.gather [hbm4b:s2+s9], $0x6400, s19, s9, $0x38;
	[tilespmem:$0x18880] =	vst v63  }
0x1f: {  	s10 =	simm.s32 $0xC3800;
	s8 =	rddreg [dreg:$0x7];
	s18 =	sand.u32 $0x40, s3  }
0x20: {  	[tilespmem:s3], [sflag:$0x1] =	stream.strided.gather [hbm4b:s7+s9], $0x2000, s10, s9, $0x38;
	[tilespmem:$0x18880] =	vst v63  }
0x21: {  	s16 =	simm.s32 $0x2000;
	s20 =	sor.u32 $0x10, s18;
	s7 =	sor.u32 $0x20, s18  }
0x22: {  	v3 =	vmov s20;
	[tilespmem:s16], [sflag:$0x2] =	stream.strided.gather [hbm4b:s8+s9], $0x2000, s10, s9, $0x38;
	[tilespmem:$0x18880] =	vst v63  }
0x23: {  	s22 =	simm.s32 $0x0;
	v3 =	vmul.u32 $0xC8, v3;
	v4 =	vmov s7;
	s8 =	rddreg [dreg:$0x8];
	s16 =	simm.s32 $0x4000  }
0x24: {  	v5 =	vmov s18;
	v4 =	vmul.u32 $0xC8, v4;
	[tilespmem:s16], [sflag:$0x3] =	stream.strided.gather [hbm4b:s8+s9], $0x2000, s10, s9, $0x38;
	[tilespmem:$0x18880] =	vst v63  }
0x25: {  	s21 =	simm.s32 $0x0;
	v5 =	vmul.u32 $0xC8, v5;
	v3 =	vadd.s32 s22, v3;
	s8 =	sor.u32 $0x30, s18  }
0x26: {  	v3 =	vbroadcast v3, $0x0;
	s9 =	sand.u32 $0x3FFFFF80, s21;
	v4 =	vadd.s32 s22, v4;
	v6 =	vmov s8;
	_ =	swait.ge [sflag:s17], $0x6400  }
0x27: {  	s23 =	simm.s32 $0x40;
	v5 =	vadd.s32 s22, v5;
	s9 =	sadd.s32 $0xC080, s9;
	v4 =	vbroadcast v4, $0x0;
	v6 =	vmul.u32 $0xC8, v6;
	[sflag:s17] =	ssyncset.done $0x0  }
0x28: {  	v5 =	vbroadcast v5, $0x0;
	v14 =	vadd.s32 v1, v3;
	s6 =	sor.u32 s20, s9;
	[sflag:s17] =	ssyncadd.s32 $0xFFFF9C00;
	s17 =	sand.u32 $0x40, s23  }
0x29: {  	v3 =	vadd.s32 v1, v4;
	v6 =	vadd.s32 s22, v6;
	v7 =	vmov s17;
	s16 =	sor.u32 $0x10, s17;
	s20 =	sor.u32 $0x20, s17;
	v13 =	vld [tilespmem:s6+$0x0]  }
0x2a: {  	s10 =	simm.s32 $0x40;
	s24 =	sor.u32 s7, s9;
	s23 =	sor.u32 $0x30, s17;
	v4 =	vmov s16;
	v8 =	vmov s20;
	v9 =	vbroadcast v6, $0x0  }
0x2b: {  	s22 =	sor.u32 s18, s9;
	s18 =	sand.u32 $0x3FFFFF80, s10;
	v6 =	vld [tilespmem:s24+$0x0];
	v11 =	vmov s23;
	v10 =	vmul.u32 $0xC8, v4;
	v8 =	vmul.u32 $0xC8, v8  }
0x2c: {  	s21 =	sor.u32 s8, s9;
	s10 =	simm.s32 $0x0;
	s24 =	sadd.s32 $0xC080, s18;
	v12 =	vmul.u32 $0xC8, v7;
	v7 =	vld [tilespmem:s22+$0x0];
	v4 =	vadd.s32 v1, v5;
	v11 =	vmul.u32 $0xC8, v11  }
0x2d: {  	s2 =	simm.s32 $0x4;
	s9 =	simm.s32 $0x80;
	s16 =	sor.u32 s16, s24;
	v5 =	vadd.s32 v1, v9;
	v9 =	vadd.s32 s10, v10;
	v10 =	vadd.s32 s10, v8;
	v8 =	vld [tilespmem:s21+$0x0]  }
0x2e: {  	s8 =	sor.u32 s20, s24;
	s7 =	sor.u32 s17, s24;
	s6 =	sor.u32 s23, s24;
	v12 =	vadd.s32 s10, v12;
	v9 =	vbroadcast v9, $0x0;
	v10 =	vbroadcast v10, $0x0;
	[tilespmem:v14+s25+$0x0] =	vst.idx.msk $0xffff, v13  }
.LBB2_2:
0x2f: {  	s2 =	sadd.s32 $0x4, s2  }
0x30: {  	s17 =	sand.u32 $0x40, s9;
	v12 =	vbroadcast v12, $0x0;
	v11 =	vadd.s32 s10, v11;
	[tilespmem:v3+s25+$0x0] =	vst.idx.msk $0xffff, v6;
	s10 =	sshll.u32 s2, $0x4  }
0x31: {  	v13 =	vmov s17;
	s20 =	sor.u32 $0x10, s17;
	s22 =	sor.u32 $0x20, s17;
	v14 =	vld [tilespmem:s16+$0x0];
	v15 =	vadd.s32 v1, v9;
	v3 =	vadd.s32 v1, v10;
	[tilespmem:v4+s25+$0x0] =	vst.idx.msk $0xffff, v7;
	p1 =	slt.u32 s2, $0x63C  }
.Ltmp2:
0x32: {  	v9 =	vbroadcast v11, $0x0;
	s10 =	sand.u32 $0x3FFFFF80, s10;
	v4 =	vmov s20;
	v7 =	vmov s22;
	v6 =	vld [tilespmem:s8+$0x0];
	[tilespmem:v5+s25+$0x0] =	vst.idx.msk $0xffff, v8;
	(pc) =	sbr.rel @p1 .LBB2_2-.Ltmp2, $4  }
0x33: {  	s21 =	sor.u32 $0x30, s17;
	s23 =	sadd.s32 $0xC080, s10;
	v10 =	vmul.u32 $0xC8, v4;
	v11 =	vmul.u32 $0xC8, v7;
	v7 =	vld [tilespmem:s7+$0x0];
	v4 =	vadd.s32 v1, v12  }
0x34: {  	s10 =	sshrl.u32 s2, $0x3;
	v12 =	vmul.u32 $0xC8, v13;
	v13 =	vmov s21;
	v5 =	vadd.s32 v1, v9;
	s16 =	sor.u32 s20, s23;
	s8 =	sor.u32 s22, s23;
	v8 =	vld [tilespmem:s6+$0x0]  }
0x35: {  	s7 =	sor.u32 s17, s23;
	s6 =	sor.u32 s21, s23;
	v9 =	vadd.s32 s10, v10;
	v10 =	vadd.s32 s10, v11;
	v11 =	vmul.u32 $0xC8, v13  }
0x36: {  	s9 =	sadd.s32 $0x40, s9;
	v12 =	vadd.s32 s10, v12;
	v9 =	vbroadcast v9, $0x0;
	v10 =	vbroadcast v10, $0x0;
	[tilespmem:v15+s25+$0x0] =	vst.idx.msk $0xffff, v14  }
0x37: {  	_ =	sdelay $0x1  }
0x38: {  	v12 =	vbroadcast v12, $0x0;
	v11 =	vadd.s32 s10, v11;
	v13 =	vld [tilespmem:s16+$0x0];
	v9 =	vadd.s32 v1, v9  }
0x39: {  	v14 =	vld [tilespmem:s8+$0x0];
	v10 =	vadd.s32 v1, v10;
	v11 =	vbroadcast v11, $0x0  }
0x3a: {  	[tilespmem:v3+s25+$0x0] =	vst.idx.msk $0xffff, v6;
	v3 =	vld [tilespmem:s7+$0x0];
	v61 =	vadd.s32 v1, v12  }
0x3b: {  	v62 =	vld [tilespmem:s6+$0x0];
	[tilespmem:v4+s25+$0x0] =	vst.idx.msk $0xffff, v7;
	v63 =	vadd.s32 v1, v11  }
0x3c: {  	[tilespmem:v5+s25+$0x0] =	vst.idx.msk $0xffff, v8  }
0x3d: {  	[tilespmem:v9+s25+$0x0] =	vst.idx.msk $0xffff, v13  }
.Ltmp3:
0x3e: {  	[tilespmem:v10+s25+$0x0] =	vst.idx.msk $0xffff, v14;
	(pc) =	sbr.rel .LBB2_4-.Ltmp3, $4  }
0x3f: {  	[tilespmem:v61+s25+$0x0] =	vst.idx.msk $0xffff, v3  }
0x40: {  	[tilespmem:v63+s25+$0x0] =	vst.idx.msk $0xffff, v62  }
0x41: {  	s16 =	simm.s32 $0x0;
	s2 =	rddreg [dreg:$0x9]  }
0x42: {  	[hbm4b:s2+s16] =	stream.linear.scatter [tilespmem:s25], [sflag:$0x7], $0x6400, $0x38;
	[tilespmem:$0x18880] =	vst v63  }
.LBB2_28:
0x43: {  	s16 =	sadd.s32 $0x1, s16  }
0x44: {  	p1 =	sne.s32 s16, $0x9  }
.Ltmp4:
0x45: {  	_ = 	snop;
	(pc) =	sbr.rel @!p1 .LBB2_29-.Ltmp4, $1  }
0x46: {  	_ =	sdelay $0x3  }
.LBB2_4:
0x47: {  	s7 =	smul.u32 $0x3, s16;
	_ =	sdelay $0x1  }
0x48: {  	p2 =	sge.u32 s7, s5  }
.Ltmp5:
0x49: {  	_ = 	snop;
	(pc) =	sbr.rel @p2 .LBB2_12-.Ltmp5, $2  }
0x4a: {  	_ =	sdelay $0x2  }
0x4b: {  	p1 =	seq.s32 s16, $0x0  }
0x4c: {  	_ =	swait.ge [sflag:s26], $0x2000  }
0x4d: {  	[sflag:s26] =	ssyncset.done $0x0  }
0x4e: {  	s2 =	simm.s32 @!p1 $0x4;
	[sflag:s26] =	ssyncadd.s32 $0xFFFFE000  }
0x4f: {  	s6 =	smul.u32 $0x60, s16;
	_ =	swait.ge @!p1 [sflag:s2], $0x1000  }
0x50: {  	s9 =	simm.s32 $0x0;
	s10 =	simm.s32 $0x200;
	[sflag:s2] =	ssyncset.done @!p1 $0x0  }
0x51: {  	s17 =	simm.s32 $0x0;
	s8 =	sor.u32 s4, s6;
	[sflag:s2] =	ssyncadd.s32 @!p1 $0xFFFFF000  }
.LBB2_6:
0x52: {  	v7 =	vld [tilespmem:s10+$0x100]  }
0x53: {  	v8 =	vld [tilespmem:s10+$0x180]  }
0x54: {  	v9 =	vld [tilespmem:s10+$0xFFFFFE80]  }
0x55: {  	s2 =	sshll.u32 s17, $0x4;
	v12 =	vld [tilespmem:s10+$0x0]  }
0x56: {  	v13 =	vld [tilespmem:s10+$0x80];
	v3 =	vmov s2  }
0x57: {  	v3 =	vmul.u32 $0x21, v3;
	_ =	sdelay $0x1  }
0x58: {  	v3 =	vbroadcast v3, $0x0  }
0x59: {  	v10 =	vld [tilespmem:s10+$0xFFFFFF00];
	v14 =	vshrl.u32 v7, $0x10;
	v15 =	vshrl.u32 v8, $0x10;
	v18 =	vshrl.u32 v9, $0x10  }
0x5a: {  	v11 =	vld [tilespmem:s10+$0xFFFFFF80];
	v19 =	vshrl.u32 v12, $0x10;
	v20 =	vshrl.u32 v13, $0x10;
	v5 =	vadd.s32 v2, v3  }
0x5b: {  	v14 =	vand.u32 $0x1, v14;
	v15 =	vand.u32 $0x1, v15;
	v18 =	vand.u32 $0x1, v18  }
0x5c: {  	s22 =	simm.s32 $0x1;
	s23 =	simm.s32 $0x2;
	s24 =	simm.s32 $0x3;
	v19 =	vand.u32 $0x1, v19;
	v20 =	vand.u32 $0x1, v20;
	v6 =	vadd.s32 s9, v5  }
0x5d: {  	v16 =	vld [tilespmem:s10+$0xFFFFFE00];
	v3 =	vadd.s32 s22, v5;
	v4 =	vadd.s32 s23, v5;
	v17 =	vadd.s32 s24, v5  }
0x5e: {  	v7 =	vadd.s32 v14, v7;
	v8 =	vadd.s32 v15, v8;
	v14 =	vshrl.u32 v10, $0x10  }
0x5f: {  	v15 =	vshrl.u32 v11, $0x10;
	v18 =	vadd.s32 v18, v9;
	v19 =	vadd.s32 v19, v12  }
0x60: {  	v7 =	vadd.s32 $0x7FFF, v7;
	v8 =	vadd.s32 $0x7FFF, v8;
	v14 =	vand.u32 $0x1, v14  }
0x61: {  	v15 =	vand.u32 $0x1, v15;
	v7 =	vshrl.u32 v7, $0x10;
	v8 =	vand.u32 $0xFFFF0000, v8  }
0x62: {  	v14 =	vadd.s32 v14, v10;
	v8 =	vor.u32 v7, v8;
	v7 =	vshrl.u32 v16, $0x10  }
0x63: {  	s2 =	sadd.s32 $0x400, s10;
	v15 =	vadd.s32 v15, v11;
	v10 =	vadd.s32 $0x7FFF, v18;
	v7 =	vand.u32 $0x1, v7  }
0x64: {  	v11 =	vadd.s32 v20, v13;
	v12 =	vadd.s32 $0x7FFF, v14;
	v16 =	vadd.s32 v7, v16;
	v7 =	vld [tilespmem:s2+$0x100]  }
0x65: {  	s6 =	simm.s32 $0x4;
	s20 =	simm.s32 $0x8;
	v13 =	vadd.s32 $0x7FFF, v15;
	v14 =	vadd.s32 $0x7FFF, v19;
	[tilespmem:v17+s28+$0x0] =	vst.idx.msk $0xffff, v8;
	v8 =	vld [tilespmem:s2+$0x180];
	v9 =	vadd.s32 $0x7FFF, v16  }
.LBB2_7:
0x66: {  	p2 =	slt.u32 s20, $0x1C;
	v15 =	vld [tilespmem:s2+$0xFFFFFE80];
	v9 =	vshrl.u32 v9, $0x10;
	v10 =	vand.u32 $0xFFFF0000, v10;
	v11 =	vadd.s32 $0x7FFF, v11  }
0x67: {  	v12 =	vshrl.u32 v12, $0x10;
	v13 =	vand.u32 $0xFFFF0000, v13;
	v14 =	vshrl.u32 v14, $0x10;
	v16 =	vld [tilespmem:s2+$0xFFFFFF00]  }
0x68: {  	s21 =	sadd.s32 $0x1, s6;
	v9 =	vor.u32 v9, v10;
	v10 =	vor.u32 v12, v13;
	v11 =	vand.u32 $0xFFFF0000, v11;
	v17 =	vld [tilespmem:s2+$0xFFFFFF80]  }
0x69: {  	v12 =	vadd.s32 s21, v5;
	s21 =	sadd.s32 $0x2, s6;
	v13 =	vld [tilespmem:s2+$0x0];
	[tilespmem:v6+s28+$0x0] =	vst.idx.msk $0xffff, v9;
	v6 =	vadd.s32 s6, v5;
	v9 =	vor.u32 v14, v11  }
0x6a: {  	v14 =	vadd.s32 s21, v5;
	s21 =	sadd.s32 $0x3, s6;
	v18 =	vshrl.u32 v7, $0x10;
	s6 =	smov.u32 s20;
	v11 =	vld [tilespmem:s2+$0x80];
	v19 =	vshrl.u32 v8, $0x10;
	[tilespmem:v3+s28+$0x0] =	vst.idx.msk $0xffff, v10;
	v3 =	vmovc v12  }
0x6b: {  	v12 =	vadd.s32 s21, v5;
	v18 =	vand.u32 $0x1, v18;
	v10 =	vld [tilespmem:s2+$0xFFFFFE00];
	v19 =	vand.u32 $0x1, v19;
	[tilespmem:v4+s28+$0x0] =	vst.idx.msk $0xffff, v9;
	v4 =	vmovc v14  }
0x6c: {  	v9 =	vshrl.u32 v15, $0x10;
	v7 =	vadd.s32 v18, v7;
	v8 =	vadd.s32 v19, v8  }
0x6d: {  	v14 =	vshrl.u32 v16, $0x10;
	v7 =	vadd.s32 $0x7FFF, v7;
	v8 =	vadd.s32 $0x7FFF, v8  }
0x6e: {  	v18 =	vshrl.u32 v17, $0x10;
	v7 =	vshrl.u32 v7, $0x10;
	v8 =	vand.u32 $0xFFFF0000, v8  }
0x6f: {  	v19 =	vshrl.u32 v13, $0x10;
	v20 =	vshrl.u32 v11, $0x10;
	v7 =	vor.u32 v7, v8  }
0x70: {  	v9 =	vand.u32 $0x1, v9;
	v14 =	vand.u32 $0x1, v14;
	v8 =	vshrl.u32 v10, $0x10;
	[tilespmem:v12+s28+$0x0] =	vst.idx.msk $0xffff, v7  }
.Ltmp6:
0x71: {  	v12 =	vand.u32 $0x1, v19;
	v7 =	vand.u32 $0x1, v8;
	v8 =	vand.u32 $0x1, v18;
	(pc) =	sbr.rel @p2 .LBB2_7-.Ltmp6, $4  }
0x72: {  	v15 =	vadd.s32 v9, v15;
	v18 =	vand.u32 $0x1, v20;
	v10 =	vadd.s32 v7, v10  }
0x73: {  	s2 =	sadd.s32 $0x400, s2;
	v14 =	vadd.s32 v14, v16;
	v16 =	vadd.s32 v8, v17;
	v17 =	vadd.s32 v12, v13  }
0x74: {  	v11 =	vadd.s32 v18, v11;
	v9 =	vadd.s32 $0x7FFF, v10;
	v10 =	vadd.s32 $0x7FFF, v15;
	v7 =	vld [tilespmem:s2+$0x100]  }
0x75: {  	s20 =	sadd.s32 $0x4, s20;
	v12 =	vadd.s32 $0x7FFF, v14;
	v13 =	vadd.s32 $0x7FFF, v16;
	v14 =	vadd.s32 $0x7FFF, v17;
	v8 =	vld [tilespmem:s2+$0x180]  }
0x76: {  	v15 =	vld [tilespmem:s2+$0xFFFFFE80]  }
0x77: {  	v16 =	vld [tilespmem:s2+$0xFFFFFE00]  }
0x78: {  	v9 =	vshrl.u32 v9, $0x10;
	v10 =	vand.u32 $0xFFFF0000, v10;
	v11 =	vadd.s32 $0x7FFF, v11;
	v36 =	vld [tilespmem:s2+$0xFFFFFF00]  }
0x79: {  	v12 =	vshrl.u32 v12, $0x10;
	v13 =	vand.u32 $0xFFFF0000, v13;
	v14 =	vshrl.u32 v14, $0x10;
	v19 =	vld [tilespmem:s2+$0xFFFFFF80]  }
0x7a: {  	v37 =	vadd.s32 s6, v5;
	v40 =	vld [tilespmem:s2+$0x0];
	s22 =	sadd.s32 $0x3, s6;
	s23 =	sadd.s32 $0x1, s6;
	v9 =	vor.u32 v9, v10;
	v35 =	vor.u32 v12, v13  }
0x7b: {  	v44 =	vld [tilespmem:s2+$0x80];
	s24 =	sadd.s32 $0x2, s6;
	v11 =	vand.u32 $0xFFFF0000, v11;
	v48 =	vadd.s32 s22, v5;
	v50 =	vadd.s32 s23, v5  }
0x7c: {  	v51 =	vadd.s32 s24, v5;
	v17 =	vshrl.u32 v7, $0x10;
	v18 =	vshrl.u32 v8, $0x10  }
0x7d: {  	v11 =	vor.u32 v14, v11;
	v38 =	vand.u32 $0x1, v17;
	v39 =	vand.u32 $0x1, v18  }
0x7e: {  	v20 =	vshrl.u32 v15, $0x10;
	v41 =	vadd.s32 v38, v7;
	v43 =	vshrl.u32 v16, $0x10  }
0x7f: {  	v45 =	vshrl.u32 v36, $0x10;
	v46 =	vshrl.u32 v19, $0x10;
	v47 =	vshrl.u32 v40, $0x10  }
0x80: {  	v49 =	vshrl.u32 v44, $0x10;
	v42 =	vadd.s32 v39, v8;
	v7 =	vadd.s32 $0x7FFF, v41  }
0x81: {  	v14 =	vand.u32 $0x1, v43;
	v20 =	vand.u32 $0x1, v20;
	v8 =	vadd.s32 $0x7FFF, v42  }
0x82: {  	v7 =	vshrl.u32 v7, $0x10;
	v14 =	vadd.s32 v14, v16;
	v15 =	vadd.s32 v20, v15  }
0x83: {  	v16 =	vand.u32 $0x1, v46;
	v20 =	vand.u32 $0x1, v47;
	v8 =	vand.u32 $0xFFFF0000, v8  }
0x84: {  	v16 =	vadd.s32 v16, v19;
	v18 =	vadd.s32 v20, v40;
	v19 =	vand.u32 $0x1, v49  }
0x85: {  	v52 =	vadd.s32 $0x7FFF, v14;
	v53 =	vadd.s32 $0x7FFF, v15;
	v7 =	vor.u32 v7, v8  }
0x86: {  	s17 =	sadd.s32 $0x1, s17;
	[tilespmem:v6+s28+$0x0] =	vst.idx.msk $0xffff, v9;
	v8 =	vand.u32 $0x1, v45;
	v54 =	vadd.s32 v19, v44;
	v55 =	vadd.s32 $0x7FFF, v16  }
0x87: {  	p2 =	sne.s32 s17, $0x8;
	[tilespmem:v3+s28+$0x0] =	vst.idx.msk $0xffff, v35;
	v56 =	vadd.s32 $0x7FFF, v18;
	v57 =	vshrl.u32 v52, $0x10;
	v58 =	vand.u32 $0xFFFF0000, v53  }
.Ltmp7:
0x88: {  	[tilespmem:v4+s28+$0x0] =	vst.idx.msk $0xffff, v11;
	v8 =	vadd.s32 v8, v36;
	v59 =	vadd.s32 $0x7FFF, v54;
	v4 =	vor.u32 v57, v58;
	(pc) =	sbr.rel @p2 .LBB2_6-.Ltmp7, $4  }
0x89: {  	[tilespmem:v48+s28+$0x0] =	vst.idx.msk $0xffff, v7;
	v61 =	vshrl.u32 v56, $0x10;
	v3 =	vadd.s32 $0x7FFF, v8;
	v62 =	vand.u32 $0xFFFF0000, v59  }
0x8a: {  	v60 =	vand.u32 $0xFFFF0000, v55;
	[tilespmem:v37+s28+$0x0] =	vst.idx.msk $0xffff, v4;
	v3 =	vshrl.u32 v3, $0x10;
	v63 =	vor.u32 v61, v62  }
0x8b: {  	v3 =	vor.u32 v3, v60;
	[tilespmem:v51+s28+$0x0] =	vst.idx.msk $0xffff, v63  }
0x8c: {  	s10 =	sadd.s32 $0x10, s10;
	[tilespmem:v50+s28+$0x0] =	vst.idx.msk $0xffff, v3  }
0x8d: {  	s2 =	simm.s32 $0x63  }
0x8e: {  	s6 =	simm.s32 $0x10;
	v3 =	vadd.s32 s2, v0  }
0x8f: {  	s18 =	simm.s32 $0x42;
	v4 =	vadd.s32 s6, v0  }
0x90: {  	s20 =	simm.s32 $0x0;
	v5 =	vadd.s32 s18, v0  }
0x91: {  	s21 =	simm.s32 $0x21;
	v6 =	vadd.s32 s20, v0  }
0x92: {  	s22 =	simm.s32 $0x31;
	v7 =	vadd.s32 s21, v0  }
0x93: {  	s9 =	simm.s32 $0x52;
	v13 =	vadd.s32 s22, v0;
	v3 =	vld.idx.msk [tilespmem:v3+s28+$0x0], $0xffff  }
0x94: {  	s23 =	simm.s32 $0x73;
	v12 =	vadd.s32 s9, v0;
	v9 =	vld.idx.msk [tilespmem:v4+s28+$0x0], $0xffff  }
0x95: {  	s10 =	simm.s32 $0x8040;
	s20 =	simm.s32 $0xE7;
	v10 =	vld.idx.msk [tilespmem:v5+s28+$0x0], $0xffff;
	v5 =	vadd.s32 s23, v0  }
0x96: {  	s24 =	simm.s32 $0xA5;
	s17 =	simm.s32 $0xC6;
	s22 =	simm.s32 $0x94;
	v14 =	vadd.s32 s20, v0;
	v6 =	vld.idx.msk [tilespmem:v6+s28+$0x0], $0xffff  }
0x97: {  	s2 =	simm.s32 $0x60;
	s9 =	simm.s32 $0xF7;
	s21 =	simm.s32 $0x84;
	v8 =	vadd.s32 s17, v0;
	v16 =	vadd.s32 s22, v0;
	v11 =	vld.idx.msk [tilespmem:v7+s28+$0x0], $0xffff  }
0x98: {  	s6 =	simm.s32 $0x8040;
	s17 =	simm.s32 $0x60;
	s20 =	simm.s32 $0x4;
	v15 =	vadd.s32 s9, v0;
	v4 =	vadd.s32 s24, v0;
	v7 =	vadd.s32 s21, v0;
	v13 =	vld.idx.msk [tilespmem:v13+s28+$0x0], $0xffff  }
.LBB2_10:
0x99: {  	s20 =	sadd.s32 $0x4, s20;
	[tilespmem:s10+$0xFFFFFFD0] =	vst v9;
	v17 =	vld.idx.msk [tilespmem:v12+s28+$0x0], $0xffff;
	s2 =	sadd.s32 $0x80, s2;
	s6 =	sadd.s32 $0x80, s6  }
0x9a: {  	s21 =	sadd.s32 $0xFFFFFFBE, s9;
	p2 =	slt.u32 s20, $0x7C;
	[tilespmem:s10+$0x0] =	vst v10;
	v18 =	vld.idx.msk [tilespmem:v5+s28+$0x0], $0xffff;
	v5 =	vmov v15  }
0x9b: {  	s22 =	sadd.s32 $0xFFFFFFE0, s17;
	v19 =	vadd.s32 s21, v0;
	s21 =	sadd.s32 $0xFFFFFFDF, s9;
	[tilespmem:s10+$0x20] =	vst v3;
	v3 =	vld.idx.msk [tilespmem:v14+s28+$0x0], $0xffff  }
0x9c: {  	s22 =	sor.u32 $0x50, s22;
	v12 =	vadd.s32 s21, v0;
	s21 =	sadd.s32 $0xFFFFFFC0, s17;
	v9 =	vld.idx.msk [tilespmem:v16+s28+$0x0], $0xffff;
	[tilespmem:s10+$0xFFFFFFC0] =	vst v6  }
.Ltmp8:
0x9d: {  	s9 =	sadd.s32 $0x84, s9;
	v10 =	vld.idx.msk [tilespmem:v8+s28+$0x0], $0xffff;
	[tilespmem:s10+$0xFFFFFFE0] =	vst v11;
	s10 =	sor.u32 $0x30, s21;
	(pc) =	sbr.rel @p2 .LBB2_10-.Ltmp8, $4  }
0x9e: {  	s23 =	sadd.s32 $0xFFFFFFCF, s9;
	s18 =	sadd.s32 $0xFFFFFFF0, s9;
	s21 =	sadd.s32 $0xFFFFFFAE, s9;
	v6 =	vld.idx.msk [tilespmem:v7+s28+$0x0], $0xffff;
	[tilespmem:s10+$0x8000] =	vst v13  }
0x9f: {  	s24 =	sadd.s32 $0xFFFFFF9D, s9;
	s17 =	sor.u32 $0x70, s17;
	v14 =	vadd.s32 s18, v0;
	v8 =	vadd.s32 s23, v0;
	s10 =	sadd.s32 $0xFFFFFF8D, s9;
	v13 =	vadd.s32 s21, v0;
	[tilespmem:s22+$0x8000] =	vst v17  }
0xa0: {  	v16 =	vadd.s32 s24, v0;
	v7 =	vadd.s32 s10, v0;
	s10 =	smov.u32 s6;
	v11 =	vld.idx.msk [tilespmem:v4+s28+$0x0], $0xffff;
	[tilespmem:s17+$0x8000] =	vst v18;
	v4 =	vmov v13;
	s17 =	smov.u32 s2  }
0xa1: {  	v15 =	vadd.s32 s9, v0;
	v13 =	vld.idx.msk [tilespmem:v19+s28+$0x0], $0xffff  }
0xa2: {  	_ =	sdelay $0x2  }
0xa3: {  	[tilespmem:s10+$0xFFFFFFD0] =	vst v9  }
0xa4: {  	v57 =	vld.idx.msk [tilespmem:v12+s28+$0x0], $0xffff;
	[tilespmem:s10+$0x0] =	vst v10  }
0xa5: {  	v5 =	vld.idx.msk [tilespmem:v5+s28+$0x0], $0xffff;
	[tilespmem:s10+$0x20] =	vst v3  }
0xa6: {  	s18 =	sadd.s32 $0xFFFFFFBE, s9;
	v3 =	vld.idx.msk [tilespmem:v16+s28+$0x0], $0xffff;
	s22 =	sadd.s32 $0xFFFFFFC0, s17;
	[tilespmem:s10+$0xFFFFFFC0] =	vst v6  }
0xa7: {  	s21 =	sadd.s32 $0xFFFFFFDF, s9;
	v59 =	vld.idx.msk [tilespmem:v14+s28+$0x0], $0xffff;
	s23 =	sadd.s32 $0xFFFFFFE0, s17;
	v58 =	vadd.s32 s18, v0;
	s9 =	sor.u32 $0x30, s22;
	[tilespmem:s10+$0xFFFFFFE0] =	vst v11  }
0xa8: {  	v7 =	vld.idx.msk [tilespmem:v7+s28+$0x0], $0xffff;
	v60 =	vadd.s32 s21, v0;
	s24 =	sor.u32 $0x50, s23;
	[tilespmem:s9+$0x8000] =	vst v13  }
0xa9: {  	v61 =	vld.idx.msk [tilespmem:v8+s28+$0x0], $0xffff;
	s17 =	sor.u32 $0x70, s17;
	[tilespmem:s24+$0x8000] =	vst v57  }
0xaa: {  	v4 =	vld.idx.msk [tilespmem:v4+s28+$0x0], $0xffff;
	s6 =	sadd.s32 $0x80, s6;
	[tilespmem:s17+$0x8000] =	vst v5  }
0xab: {  	v63 =	vld.idx.msk [tilespmem:v15+s28+$0x0], $0xffff;
	[tilespmem:s6+$0xFFFFFFD0] =	vst v3  }
0xac: {  	[tilespmem:s6+$0x20] =	vst v59;
	v62 =	vld.idx.msk [tilespmem:v58+s28+$0x0], $0xffff  }
0xad: {  	[tilespmem:s6+$0xFFFFFFC0] =	vst v7;
	v3 =	vld.idx.msk [tilespmem:v60+s28+$0x0], $0xffff  }
0xae: {  	s2 =	sadd.s32 $0x80, s2;
	[tilespmem:s6+$0x0] =	vst v61  }
0xaf: {  	s18 =	sadd.s32 $0xFFFFFFC0, s2;
	s20 =	sadd.s32 $0xFFFFFFE0, s2;
	s2 =	sor.u32 $0x70, s2;
	[tilespmem:s6+$0xFFFFFFE0] =	vst v4  }
0xb0: {  	s21 =	sor.u32 $0x30, s18;
	[tilespmem:s2+$0x8000] =	vst v63  }
0xb1: {  	p2 =	sge.u32 s7, s11;
	s23 =	sshll.u32 s8, $0x9;
	s22 =	sor.u32 $0x50, s20;
	[tilespmem:s21+$0x8000] =	vst v62  }
0xb2: {  	s9 =	simm.s32 @!p2 $0x0;
	s24 =	sadd.s32 s1, s23;
	s2 =	sshll.u32 @!p2 s8, $0x7;
	[tilespmem:s22+$0x8000] =	vst v3  }
0xb3: {  	[hbm4b:s24+s3] =	stream.linear.scatter [tilespmem:s19], [sflag:$0x4], $0x1000, $0x38;
	[tilespmem:$0x18880] =	vst v63  }
0xb4: {  	s6 =	simm.s32 @!p2 $0x400;
	s8 =	simm.s32 @!p2 $0xC3800;
	s2 =	sadd.s32 @!p2 s2, s14  }
0xb5: {  	[tilespmem:s9], [sflag:$0x1] =	stream.strided.gather @!p2 [hbm4b:s2+s6], $0x2000, s8, s6, $0x38;
	[tilespmem:$0x18880] =	vst v63  }
.LBB2_12:
0xb6: {  	s2 =	sadd.s32 $0x1, s7  }
0xb7: {  	p2 =	sge.u32 s2, s5  }
.Ltmp9:
0xb8: {  	_ = 	snop;
	(pc) =	sbr.rel @p2 .LBB2_20-.Ltmp9, $1  }
0xb9: {  	_ =	sdelay $0x3  }
0xba: {  	_ =	swait.ge [sflag:s29], $0x2000  }
0xbb: {  	[sflag:s29] =	ssyncset.done $0x0  }
0xbc: {  	s6 =	simm.s32 @!p1 $0x5;
	[sflag:s29] =	ssyncadd.s32 $0xFFFFE000  }
0xbd: {  	s2 =	sshll.u32 s2, $0x5;
	_ =	swait.ge @!p1 [sflag:s6], $0x1000  }
0xbe: {  	s9 =	simm.s32 $0x0;
	s10 =	simm.s32 $0x2200;
	[sflag:s6] =	ssyncset.done @!p1 $0x0  }
0xbf: {  	s17 =	simm.s32 $0x0;
	s8 =	sor.u32 s4, s2;
	[sflag:s6] =	ssyncadd.s32 @!p1 $0xFFFFF000  }
.LBB2_14:
0xc0: {  	v7 =	vld [tilespmem:s10+$0x100]  }
0xc1: {  	v8 =	vld [tilespmem:s10+$0x180]  }
0xc2: {  	v9 =	vld [tilespmem:s10+$0xFFFFFE80]  }
0xc3: {  	s2 =	sshll.u32 s17, $0x4;
	v12 =	vld [tilespmem:s10+$0x0]  }
0xc4: {  	v13 =	vld [tilespmem:s10+$0x80];
	v3 =	vmov s2  }
0xc5: {  	v3 =	vmul.u32 $0x21, v3;
	_ =	sdelay $0x1  }
0xc6: {  	v3 =	vbroadcast v3, $0x0  }
0xc7: {  	v10 =	vld [tilespmem:s10+$0xFFFFFF00];
	v14 =	vshrl.u32 v7, $0x10;
	v15 =	vshrl.u32 v8, $0x10;
	v18 =	vshrl.u32 v9, $0x10  }
0xc8: {  	v11 =	vld [tilespmem:s10+$0xFFFFFF80];
	v19 =	vshrl.u32 v12, $0x10;
	v20 =	vshrl.u32 v13, $0x10;
	v5 =	vadd.s32 v2, v3  }
0xc9: {  	v14 =	vand.u32 $0x1, v14;
	v15 =	vand.u32 $0x1, v15;
	v18 =	vand.u32 $0x1, v18  }
0xca: {  	s22 =	simm.s32 $0x1;
	s23 =	simm.s32 $0x2;
	s24 =	simm.s32 $0x3;
	v19 =	vand.u32 $0x1, v19;
	v20 =	vand.u32 $0x1, v20;
	v6 =	vadd.s32 s9, v5  }
0xcb: {  	v16 =	vld [tilespmem:s10+$0xFFFFFE00];
	v3 =	vadd.s32 s22, v5;
	v4 =	vadd.s32 s23, v5;
	v17 =	vadd.s32 s24, v5  }
0xcc: {  	v7 =	vadd.s32 v14, v7;
	v8 =	vadd.s32 v15, v8;
	v14 =	vshrl.u32 v10, $0x10  }
0xcd: {  	v15 =	vshrl.u32 v11, $0x10;
	v18 =	vadd.s32 v18, v9;
	v19 =	vadd.s32 v19, v12  }
0xce: {  	v7 =	vadd.s32 $0x7FFF, v7;
	v8 =	vadd.s32 $0x7FFF, v8;
	v14 =	vand.u32 $0x1, v14  }
0xcf: {  	v15 =	vand.u32 $0x1, v15;
	v7 =	vshrl.u32 v7, $0x10;
	v8 =	vand.u32 $0xFFFF0000, v8  }
0xd0: {  	v14 =	vadd.s32 v14, v10;
	v8 =	vor.u32 v7, v8;
	v7 =	vshrl.u32 v16, $0x10  }
0xd1: {  	s2 =	sadd.s32 $0x400, s10;
	v15 =	vadd.s32 v15, v11;
	v10 =	vadd.s32 $0x7FFF, v18;
	v7 =	vand.u32 $0x1, v7  }
0xd2: {  	v11 =	vadd.s32 v20, v13;
	v12 =	vadd.s32 $0x7FFF, v14;
	v16 =	vadd.s32 v7, v16;
	v7 =	vld [tilespmem:s2+$0x100]  }
0xd3: {  	s6 =	simm.s32 $0x4;
	s20 =	simm.s32 $0x8;
	v13 =	vadd.s32 $0x7FFF, v15;
	v14 =	vadd.s32 $0x7FFF, v19;
	[tilespmem:v17+s28+$0x0] =	vst.idx.msk $0xffff, v8;
	v8 =	vld [tilespmem:s2+$0x180];
	v9 =	vadd.s32 $0x7FFF, v16  }
.LBB2_15:
0xd4: {  	p2 =	slt.u32 s20, $0x1C;
	v15 =	vld [tilespmem:s2+$0xFFFFFE80];
	v9 =	vshrl.u32 v9, $0x10;
	v10 =	vand.u32 $0xFFFF0000, v10;
	v11 =	vadd.s32 $0x7FFF, v11  }
0xd5: {  	v12 =	vshrl.u32 v12, $0x10;
	v13 =	vand.u32 $0xFFFF0000, v13;
	v14 =	vshrl.u32 v14, $0x10;
	v16 =	vld [tilespmem:s2+$0xFFFFFF00]  }
0xd6: {  	s18 =	sadd.s32 $0x1, s6;
	v9 =	vor.u32 v9, v10;
	v10 =	vor.u32 v12, v13;
	v11 =	vand.u32 $0xFFFF0000, v11;
	v17 =	vld [tilespmem:s2+$0xFFFFFF80]  }
0xd7: {  	v12 =	vadd.s32 s18, v5;
	s18 =	sadd.s32 $0x2, s6;
	v13 =	vld [tilespmem:s2+$0x0];
	[tilespmem:v6+s28+$0x0] =	vst.idx.msk $0xffff, v9;
	v6 =	vadd.s32 s6, v5;
	v9 =	vor.u32 v14, v11  }
0xd8: {  	v14 =	vadd.s32 s18, v5;
	s18 =	sadd.s32 $0x3, s6;
	v18 =	vshrl.u32 v7, $0x10;
	s6 =	smov.u32 s20;
	v11 =	vld [tilespmem:s2+$0x80];
	v19 =	vshrl.u32 v8, $0x10;
	[tilespmem:v3+s28+$0x0] =	vst.idx.msk $0xffff, v10;
	v3 =	vmovc v12  }
0xd9: {  	v12 =	vadd.s32 s18, v5;
	v18 =	vand.u32 $0x1, v18;
	v10 =	vld [tilespmem:s2+$0xFFFFFE00];
	v19 =	vand.u32 $0x1, v19;
	[tilespmem:v4+s28+$0x0] =	vst.idx.msk $0xffff, v9;
	v4 =	vmovc v14  }
0xda: {  	v9 =	vshrl.u32 v15, $0x10;
	v7 =	vadd.s32 v18, v7;
	v8 =	vadd.s32 v19, v8  }
0xdb: {  	v14 =	vshrl.u32 v16, $0x10;
	v7 =	vadd.s32 $0x7FFF, v7;
	v8 =	vadd.s32 $0x7FFF, v8  }
0xdc: {  	v18 =	vshrl.u32 v17, $0x10;
	v7 =	vshrl.u32 v7, $0x10;
	v8 =	vand.u32 $0xFFFF0000, v8  }
0xdd: {  	v19 =	vshrl.u32 v13, $0x10;
	v20 =	vshrl.u32 v11, $0x10;
	v7 =	vor.u32 v7, v8  }
0xde: {  	v9 =	vand.u32 $0x1, v9;
	v14 =	vand.u32 $0x1, v14;
	v8 =	vshrl.u32 v10, $0x10;
	[tilespmem:v12+s28+$0x0] =	vst.idx.msk $0xffff, v7  }
.Ltmp10:
0xdf: {  	v12 =	vand.u32 $0x1, v19;
	v7 =	vand.u32 $0x1, v8;
	v8 =	vand.u32 $0x1, v18;
	(pc) =	sbr.rel @p2 .LBB2_15-.Ltmp10, $4  }
0xe0: {  	v15 =	vadd.s32 v9, v15;
	v18 =	vand.u32 $0x1, v20;
	v10 =	vadd.s32 v7, v10  }
0xe1: {  	s2 =	sadd.s32 $0x400, s2;
	v14 =	vadd.s32 v14, v16;
	v16 =	vadd.s32 v8, v17;
	v17 =	vadd.s32 v12, v13  }
0xe2: {  	v11 =	vadd.s32 v18, v11;
	v9 =	vadd.s32 $0x7FFF, v10;
	v10 =	vadd.s32 $0x7FFF, v15;
	v7 =	vld [tilespmem:s2+$0x100]  }
0xe3: {  	s20 =	sadd.s32 $0x4, s20;
	v12 =	vadd.s32 $0x7FFF, v14;
	v13 =	vadd.s32 $0x7FFF, v16;
	v14 =	vadd.s32 $0x7FFF, v17;
	v8 =	vld [tilespmem:s2+$0x180]  }
0xe4: {  	v15 =	vld [tilespmem:s2+$0xFFFFFE80]  }
0xe5: {  	v16 =	vld [tilespmem:s2+$0xFFFFFE00]  }
0xe6: {  	v9 =	vshrl.u32 v9, $0x10;
	v10 =	vand.u32 $0xFFFF0000, v10;
	v11 =	vadd.s32 $0x7FFF, v11;
	v36 =	vld [tilespmem:s2+$0xFFFFFF00]  }
0xe7: {  	v12 =	vshrl.u32 v12, $0x10;
	v13 =	vand.u32 $0xFFFF0000, v13;
	v14 =	vshrl.u32 v14, $0x10;
	v19 =	vld [tilespmem:s2+$0xFFFFFF80]  }
0xe8: {  	v37 =	vadd.s32 s6, v5;
	v40 =	vld [tilespmem:s2+$0x0];
	s22 =	sadd.s32 $0x3, s6;
	s23 =	sadd.s32 $0x1, s6;
	v9 =	vor.u32 v9, v10;
	v35 =	vor.u32 v12, v13  }
0xe9: {  	v44 =	vld [tilespmem:s2+$0x80];
	s24 =	sadd.s32 $0x2, s6;
	v11 =	vand.u32 $0xFFFF0000, v11;
	v48 =	vadd.s32 s22, v5;
	v50 =	vadd.s32 s23, v5  }
0xea: {  	v51 =	vadd.s32 s24, v5;
	v17 =	vshrl.u32 v7, $0x10;
	v18 =	vshrl.u32 v8, $0x10  }
0xeb: {  	v11 =	vor.u32 v14, v11;
	v38 =	vand.u32 $0x1, v17;
	v39 =	vand.u32 $0x1, v18  }
0xec: {  	v20 =	vshrl.u32 v15, $0x10;
	v41 =	vadd.s32 v38, v7;
	v43 =	vshrl.u32 v16, $0x10  }
0xed: {  	v45 =	vshrl.u32 v36, $0x10;
	v46 =	vshrl.u32 v19, $0x10;
	v47 =	vshrl.u32 v40, $0x10  }
0xee: {  	v49 =	vshrl.u32 v44, $0x10;
	v42 =	vadd.s32 v39, v8;
	v7 =	vadd.s32 $0x7FFF, v41  }
0xef: {  	v14 =	vand.u32 $0x1, v43;
	v20 =	vand.u32 $0x1, v20;
	v8 =	vadd.s32 $0x7FFF, v42  }
0xf0: {  	v7 =	vshrl.u32 v7, $0x10;
	v14 =	vadd.s32 v14, v16;
	v15 =	vadd.s32 v20, v15  }
0xf1: {  	v16 =	vand.u32 $0x1, v46;
	v20 =	vand.u32 $0x1, v47;
	v8 =	vand.u32 $0xFFFF0000, v8  }
0xf2: {  	v16 =	vadd.s32 v16, v19;
	v18 =	vadd.s32 v20, v40;
	v19 =	vand.u32 $0x1, v49  }
0xf3: {  	v52 =	vadd.s32 $0x7FFF, v14;
	v53 =	vadd.s32 $0x7FFF, v15;
	v7 =	vor.u32 v7, v8  }
0xf4: {  	s17 =	sadd.s32 $0x1, s17;
	[tilespmem:v6+s28+$0x0] =	vst.idx.msk $0xffff, v9;
	v8 =	vand.u32 $0x1, v45;
	v54 =	vadd.s32 v19, v44;
	v55 =	vadd.s32 $0x7FFF, v16  }
0xf5: {  	p2 =	sne.s32 s17, $0x8;
	[tilespmem:v3+s28+$0x0] =	vst.idx.msk $0xffff, v35;
	v56 =	vadd.s32 $0x7FFF, v18;
	v57 =	vshrl.u32 v52, $0x10;
	v58 =	vand.u32 $0xFFFF0000, v53  }
.Ltmp11:
0xf6: {  	[tilespmem:v4+s28+$0x0] =	vst.idx.msk $0xffff, v11;
	v8 =	vadd.s32 v8, v36;
	v59 =	vadd.s32 $0x7FFF, v54;
	v4 =	vor.u32 v57, v58;
	(pc) =	sbr.rel @p2 .LBB2_14-.Ltmp11, $4  }
0xf7: {  	[tilespmem:v48+s28+$0x0] =	vst.idx.msk $0xffff, v7;
	v61 =	vshrl.u32 v56, $0x10;
	v3 =	vadd.s32 $0x7FFF, v8;
	v62 =	vand.u32 $0xFFFF0000, v59  }
0xf8: {  	v60 =	vand.u32 $0xFFFF0000, v55;
	[tilespmem:v37+s28+$0x0] =	vst.idx.msk $0xffff, v4;
	v3 =	vshrl.u32 v3, $0x10;
	v63 =	vor.u32 v61, v62  }
0xf9: {  	v3 =	vor.u32 v3, v60;
	[tilespmem:v51+s28+$0x0] =	vst.idx.msk $0xffff, v63  }
0xfa: {  	s10 =	sadd.s32 $0x10, s10;
	[tilespmem:v50+s28+$0x0] =	vst.idx.msk $0xffff, v3  }
0xfb: {  	s2 =	simm.s32 $0x63  }
0xfc: {  	s6 =	simm.s32 $0x10;
	v3 =	vadd.s32 s2, v0  }
0xfd: {  	s18 =	simm.s32 $0x42;
	v4 =	vadd.s32 s6, v0  }
0xfe: {  	s20 =	simm.s32 $0x0;
	v5 =	vadd.s32 s18, v0  }
0xff: {  	s21 =	simm.s32 $0x21;
	v6 =	vadd.s32 s20, v0  }
0x100: {  	s22 =	simm.s32 $0x31;
	v7 =	vadd.s32 s21, v0  }
0x101: {  	s9 =	simm.s32 $0x52;
	v13 =	vadd.s32 s22, v0;
	v3 =	vld.idx.msk [tilespmem:v3+s28+$0x0], $0xffff  }
0x102: {  	s23 =	simm.s32 $0x73;
	v12 =	vadd.s32 s9, v0;
	v9 =	vld.idx.msk [tilespmem:v4+s28+$0x0], $0xffff  }
0x103: {  	s10 =	simm.s32 $0x9040;
	s18 =	simm.s32 $0xE7;
	v10 =	vld.idx.msk [tilespmem:v5+s28+$0x0], $0xffff;
	v5 =	vadd.s32 s23, v0  }
0x104: {  	s24 =	simm.s32 $0xA5;
	s17 =	simm.s32 $0xC6;
	s22 =	simm.s32 $0x94;
	v14 =	vadd.s32 s18, v0;
	v6 =	vld.idx.msk [tilespmem:v6+s28+$0x0], $0xffff  }
0x105: {  	s2 =	simm.s32 $0x60;
	s9 =	simm.s32 $0xF7;
	s21 =	simm.s32 $0x84;
	v8 =	vadd.s32 s17, v0;
	v16 =	vadd.s32 s22, v0;
	v11 =	vld.idx.msk [tilespmem:v7+s28+$0x0], $0xffff  }
0x106: {  	s20 =	simm.s32 $0x4;
	s6 =	simm.s32 $0x9040;
	s17 =	simm.s32 $0x60;
	v15 =	vadd.s32 s9, v0;
	v4 =	vadd.s32 s24, v0;
	v7 =	vadd.s32 s21, v0;
	v13 =	vld.idx.msk [tilespmem:v13+s28+$0x0], $0xffff  }
.LBB2_18:
0x107: {  	s20 =	sadd.s32 $0x4, s20;
	[tilespmem:s10+$0xFFFFFFD0] =	vst v9;
	v17 =	vld.idx.msk [tilespmem:v12+s28+$0x0], $0xffff;
	s2 =	sadd.s32 $0x80, s2;
	s6 =	sadd.s32 $0x80, s6  }
0x108: {  	s18 =	sadd.s32 $0xFFFFFFBE, s9;
	p2 =	slt.u32 s20, $0x7C;
	[tilespmem:s10+$0x0] =	vst v10;
	v18 =	vld.idx.msk [tilespmem:v5+s28+$0x0], $0xffff;
	v5 =	vmov v15  }
0x109: {  	s21 =	sadd.s32 $0xFFFFFFE0, s17;
	v19 =	vadd.s32 s18, v0;
	s18 =	sadd.s32 $0xFFFFFFDF, s9;
	[tilespmem:s10+$0x20] =	vst v3;
	v3 =	vld.idx.msk [tilespmem:v14+s28+$0x0], $0xffff  }
0x10a: {  	s21 =	sor.u32 $0x50, s21;
	v12 =	vadd.s32 s18, v0;
	s18 =	sadd.s32 $0xFFFFFFC0, s17;
	v9 =	vld.idx.msk [tilespmem:v16+s28+$0x0], $0xffff;
	[tilespmem:s10+$0xFFFFFFC0] =	vst v6  }
.Ltmp12:
0x10b: {  	s9 =	sadd.s32 $0x84, s9;
	v10 =	vld.idx.msk [tilespmem:v8+s28+$0x0], $0xffff;
	[tilespmem:s10+$0xFFFFFFE0] =	vst v11;
	s10 =	sor.u32 $0x30, s18;
	(pc) =	sbr.rel @p2 .LBB2_18-.Ltmp12, $4  }
0x10c: {  	s22 =	sadd.s32 $0xFFFFFFCF, s9;
	s23 =	sadd.s32 $0xFFFFFFF0, s9;
	s18 =	sadd.s32 $0xFFFFFFAE, s9;
	v6 =	vld.idx.msk [tilespmem:v7+s28+$0x0], $0xffff;
	[tilespmem:s10+$0x9000] =	vst v13  }
0x10d: {  	s24 =	sadd.s32 $0xFFFFFF9D, s9;
	s17 =	sor.u32 $0x70, s17;
	v14 =	vadd.s32 s23, v0;
	v8 =	vadd.s32 s22, v0;
	s10 =	sadd.s32 $0xFFFFFF8D, s9;
	v13 =	vadd.s32 s18, v0;
	[tilespmem:s21+$0x9000] =	vst v17  }
0x10e: {  	v16 =	vadd.s32 s24, v0;
	v7 =	vadd.s32 s10, v0;
	s10 =	smov.u32 s6;
	v11 =	vld.idx.msk [tilespmem:v4+s28+$0x0], $0xffff;
	[tilespmem:s17+$0x9000] =	vst v18;
	v4 =	vmov v13;
	s17 =	smov.u32 s2  }
0x10f: {  	v15 =	vadd.s32 s9, v0;
	v13 =	vld.idx.msk [tilespmem:v19+s28+$0x0], $0xffff  }
0x110: {  	_ =	sdelay $0x2  }
0x111: {  	[tilespmem:s10+$0xFFFFFFD0] =	vst v9  }
0x112: {  	v57 =	vld.idx.msk [tilespmem:v12+s28+$0x0], $0xffff;
	[tilespmem:s10+$0x0] =	vst v10  }
0x113: {  	v5 =	vld.idx.msk [tilespmem:v5+s28+$0x0], $0xffff;
	[tilespmem:s10+$0x20] =	vst v3  }
0x114: {  	s18 =	sadd.s32 $0xFFFFFFBE, s9;
	v3 =	vld.idx.msk [tilespmem:v16+s28+$0x0], $0xffff;
	s22 =	sadd.s32 $0xFFFFFFC0, s17;
	[tilespmem:s10+$0xFFFFFFC0] =	vst v6  }
0x115: {  	s21 =	sadd.s32 $0xFFFFFFDF, s9;
	v59 =	vld.idx.msk [tilespmem:v14+s28+$0x0], $0xffff;
	s23 =	sadd.s32 $0xFFFFFFE0, s17;
	v58 =	vadd.s32 s18, v0;
	s9 =	sor.u32 $0x30, s22;
	[tilespmem:s10+$0xFFFFFFE0] =	vst v11  }
0x116: {  	v7 =	vld.idx.msk [tilespmem:v7+s28+$0x0], $0xffff;
	v60 =	vadd.s32 s21, v0;
	s24 =	sor.u32 $0x50, s23;
	[tilespmem:s9+$0x9000] =	vst v13  }
0x117: {  	v61 =	vld.idx.msk [tilespmem:v8+s28+$0x0], $0xffff;
	s17 =	sor.u32 $0x70, s17;
	[tilespmem:s24+$0x9000] =	vst v57  }
0x118: {  	v4 =	vld.idx.msk [tilespmem:v4+s28+$0x0], $0xffff;
	s6 =	sadd.s32 $0x80, s6;
	[tilespmem:s17+$0x9000] =	vst v5  }
0x119: {  	v63 =	vld.idx.msk [tilespmem:v15+s28+$0x0], $0xffff;
	[tilespmem:s6+$0xFFFFFFD0] =	vst v3  }
0x11a: {  	[tilespmem:s6+$0x20] =	vst v59;
	v62 =	vld.idx.msk [tilespmem:v58+s28+$0x0], $0xffff  }
0x11b: {  	[tilespmem:s6+$0xFFFFFFC0] =	vst v7;
	v3 =	vld.idx.msk [tilespmem:v60+s28+$0x0], $0xffff  }
0x11c: {  	s2 =	sadd.s32 $0x80, s2;
	[tilespmem:s6+$0x0] =	vst v61  }
0x11d: {  	s18 =	sadd.s32 $0xFFFFFFC0, s2;
	s20 =	sadd.s32 $0xFFFFFFE0, s2;
	s2 =	sor.u32 $0x70, s2;
	[tilespmem:s6+$0xFFFFFFE0] =	vst v4  }
0x11e: {  	s23 =	sshll.u32 s8, $0x9;
	s21 =	sor.u32 $0x30, s18;
	[tilespmem:s2+$0x9000] =	vst v63  }
0x11f: {  	p2 =	sge.u32 s7, s12;
	s22 =	sor.u32 $0x50, s20;
	s6 =	sand.u32 $0x1FFFFE00, s23;
	[tilespmem:s21+$0x9000] =	vst v62  }
0x120: {  	s9 =	simm.s32 @!p2 $0x2000;
	s2 =	sshll.u32 @!p2 s8, $0x7;
	s24 =	sadd.s32 s1, s6;
	[tilespmem:s22+$0x9000] =	vst v3  }
0x121: {  	[hbm4b:s24+s3] =	stream.linear.scatter [tilespmem:s30], [sflag:$0x5], $0x1000, $0x38;
	[tilespmem:$0x18880] =	vst v63  }
0x122: {  	s8 =	simm.s32 @!p2 $0xC3800;
	s2 =	sadd.s32 @!p2 s2, s14;
	s6 =	simm.s32 @!p2 $0x400  }
0x123: {  	[tilespmem:s9], [sflag:$0x2] =	stream.strided.gather @!p2 [hbm4b:s2+s6], $0x2000, s8, s6, $0x38;
	[tilespmem:$0x18880] =	vst v63  }
.LBB2_20:
0x124: {  	s2 =	sadd.s32 $0x2, s7  }
0x125: {  	p2 =	sge.u32 s2, s5  }
.Ltmp13:
0x126: {  	_ = 	snop;
	(pc) =	sbr.rel @p2 .LBB2_28-.Ltmp13, $1  }
0x127: {  	_ =	sdelay $0x3  }
0x128: {  	_ =	swait.ge [sflag:s31], $0x2000  }
0x129: {  	[sflag:s31] =	ssyncset.done $0x0  }
0x12a: {  	s6 =	simm.s32 @!p1 $0x6;
	[sflag:s31] =	ssyncadd.s32 $0xFFFFE000  }
0x12b: {  	s2 =	sshll.u32 s2, $0x5;
	_ =	swait.ge @!p1 [sflag:s6], $0x1000  }
0x12c: {  	s9 =	simm.s32 $0x0;
	s10 =	simm.s32 $0x4200;
	[sflag:s6] =	ssyncset.done @!p1 $0x0  }
0x12d: {  	s17 =	simm.s32 $0x0;
	s8 =	sor.u32 s4, s2;
	[sflag:s6] =	ssyncadd.s32 @!p1 $0xFFFFF000  }
.LBB2_22:
0x12e: {  	v7 =	vld [tilespmem:s10+$0x100]  }
0x12f: {  	v8 =	vld [tilespmem:s10+$0x180]  }
0x130: {  	v9 =	vld [tilespmem:s10+$0xFFFFFE80]  }
0x131: {  	s2 =	sshll.u32 s17, $0x4;
	v12 =	vld [tilespmem:s10+$0x0]  }
0x132: {  	v13 =	vld [tilespmem:s10+$0x80];
	v3 =	vmov s2  }
0x133: {  	v3 =	vmul.u32 $0x21, v3;
	_ =	sdelay $0x1  }
0x134: {  	v3 =	vbroadcast v3, $0x0  }
0x135: {  	v10 =	vld [tilespmem:s10+$0xFFFFFF00];
	v14 =	vshrl.u32 v7, $0x10;
	v15 =	vshrl.u32 v8, $0x10;
	v18 =	vshrl.u32 v9, $0x10  }
0x136: {  	v11 =	vld [tilespmem:s10+$0xFFFFFF80];
	v19 =	vshrl.u32 v12, $0x10;
	v20 =	vshrl.u32 v13, $0x10;
	v5 =	vadd.s32 v2, v3  }
0x137: {  	v14 =	vand.u32 $0x1, v14;
	v15 =	vand.u32 $0x1, v15;
	v18 =	vand.u32 $0x1, v18  }
0x138: {  	s22 =	simm.s32 $0x1;
	s23 =	simm.s32 $0x2;
	s24 =	simm.s32 $0x3;
	v19 =	vand.u32 $0x1, v19;
	v20 =	vand.u32 $0x1, v20;
	v6 =	vadd.s32 s9, v5  }
0x139: {  	v16 =	vld [tilespmem:s10+$0xFFFFFE00];
	v3 =	vadd.s32 s22, v5;
	v4 =	vadd.s32 s23, v5;
	v17 =	vadd.s32 s24, v5  }
0x13a: {  	v7 =	vadd.s32 v14, v7;
	v8 =	vadd.s32 v15, v8;
	v14 =	vshrl.u32 v10, $0x10  }
0x13b: {  	v15 =	vshrl.u32 v11, $0x10;
	v18 =	vadd.s32 v18, v9;
	v19 =	vadd.s32 v19, v12  }
0x13c: {  	v7 =	vadd.s32 $0x7FFF, v7;
	v8 =	vadd.s32 $0x7FFF, v8;
	v14 =	vand.u32 $0x1, v14  }
0x13d: {  	v15 =	vand.u32 $0x1, v15;
	v7 =	vshrl.u32 v7, $0x10;
	v8 =	vand.u32 $0xFFFF0000, v8  }
0x13e: {  	v14 =	vadd.s32 v14, v10;
	v8 =	vor.u32 v7, v8;
	v7 =	vshrl.u32 v16, $0x10  }
0x13f: {  	s2 =	sadd.s32 $0x400, s10;
	v15 =	vadd.s32 v15, v11;
	v10 =	vadd.s32 $0x7FFF, v18;
	v7 =	vand.u32 $0x1, v7  }
0x140: {  	v11 =	vadd.s32 v20, v13;
	v12 =	vadd.s32 $0x7FFF, v14;
	v16 =	vadd.s32 v7, v16;
	v7 =	vld [tilespmem:s2+$0x100]  }
0x141: {  	s6 =	simm.s32 $0x4;
	s20 =	simm.s32 $0x8;
	v13 =	vadd.s32 $0x7FFF, v15;
	v14 =	vadd.s32 $0x7FFF, v19;
	[tilespmem:v17+s28+$0x0] =	vst.idx.msk $0xffff, v8;
	v8 =	vld [tilespmem:s2+$0x180];
	v9 =	vadd.s32 $0x7FFF, v16  }
.LBB2_23:
0x142: {  	p1 =	slt.u32 s20, $0x1C;
	v15 =	vld [tilespmem:s2+$0xFFFFFE80];
	v9 =	vshrl.u32 v9, $0x10;
	v10 =	vand.u32 $0xFFFF0000, v10;
	v11 =	vadd.s32 $0x7FFF, v11  }
0x143: {  	v12 =	vshrl.u32 v12, $0x10;
	v13 =	vand.u32 $0xFFFF0000, v13;
	v14 =	vshrl.u32 v14, $0x10;
	v16 =	vld [tilespmem:s2+$0xFFFFFF00]  }
0x144: {  	s18 =	sadd.s32 $0x1, s6;
	v9 =	vor.u32 v9, v10;
	v10 =	vor.u32 v12, v13;
	v11 =	vand.u32 $0xFFFF0000, v11;
	v17 =	vld [tilespmem:s2+$0xFFFFFF80]  }
0x145: {  	v12 =	vadd.s32 s18, v5;
	s18 =	sadd.s32 $0x2, s6;
	v13 =	vld [tilespmem:s2+$0x0];
	[tilespmem:v6+s28+$0x0] =	vst.idx.msk $0xffff, v9;
	v6 =	vadd.s32 s6, v5;
	v9 =	vor.u32 v14, v11  }
0x146: {  	v14 =	vadd.s32 s18, v5;
	s18 =	sadd.s32 $0x3, s6;
	v18 =	vshrl.u32 v7, $0x10;
	s6 =	smov.u32 s20;
	v11 =	vld [tilespmem:s2+$0x80];
	v19 =	vshrl.u32 v8, $0x10;
	[tilespmem:v3+s28+$0x0] =	vst.idx.msk $0xffff, v10;
	v3 =	vmovc v12  }
0x147: {  	v12 =	vadd.s32 s18, v5;
	v18 =	vand.u32 $0x1, v18;
	v10 =	vld [tilespmem:s2+$0xFFFFFE00];
	v19 =	vand.u32 $0x1, v19;
	[tilespmem:v4+s28+$0x0] =	vst.idx.msk $0xffff, v9;
	v4 =	vmovc v14  }
0x148: {  	v9 =	vshrl.u32 v15, $0x10;
	v7 =	vadd.s32 v18, v7;
	v8 =	vadd.s32 v19, v8  }
0x149: {  	v14 =	vshrl.u32 v16, $0x10;
	v7 =	vadd.s32 $0x7FFF, v7;
	v8 =	vadd.s32 $0x7FFF, v8  }
0x14a: {  	v18 =	vshrl.u32 v17, $0x10;
	v7 =	vshrl.u32 v7, $0x10;
	v8 =	vand.u32 $0xFFFF0000, v8  }
0x14b: {  	v19 =	vshrl.u32 v13, $0x10;
	v20 =	vshrl.u32 v11, $0x10;
	v7 =	vor.u32 v7, v8  }
0x14c: {  	v9 =	vand.u32 $0x1, v9;
	v14 =	vand.u32 $0x1, v14;
	v8 =	vshrl.u32 v10, $0x10;
	[tilespmem:v12+s28+$0x0] =	vst.idx.msk $0xffff, v7  }
.Ltmp14:
0x14d: {  	v12 =	vand.u32 $0x1, v19;
	v7 =	vand.u32 $0x1, v8;
	v8 =	vand.u32 $0x1, v18;
	(pc) =	sbr.rel @p1 .LBB2_23-.Ltmp14, $4  }
0x14e: {  	v15 =	vadd.s32 v9, v15;
	v18 =	vand.u32 $0x1, v20;
	v10 =	vadd.s32 v7, v10  }
0x14f: {  	s2 =	sadd.s32 $0x400, s2;
	v14 =	vadd.s32 v14, v16;
	v16 =	vadd.s32 v8, v17;
	v17 =	vadd.s32 v12, v13  }
0x150: {  	v11 =	vadd.s32 v18, v11;
	v9 =	vadd.s32 $0x7FFF, v10;
	v10 =	vadd.s32 $0x7FFF, v15;
	v7 =	vld [tilespmem:s2+$0x100]  }
0x151: {  	s20 =	sadd.s32 $0x4, s20;
	v12 =	vadd.s32 $0x7FFF, v14;
	v13 =	vadd.s32 $0x7FFF, v16;
	v14 =	vadd.s32 $0x7FFF, v17;
	v8 =	vld [tilespmem:s2+$0x180]  }
0x152: {  	v15 =	vld [tilespmem:s2+$0xFFFFFE80]  }
0x153: {  	v16 =	vld [tilespmem:s2+$0xFFFFFE00]  }
0x154: {  	v9 =	vshrl.u32 v9, $0x10;
	v10 =	vand.u32 $0xFFFF0000, v10;
	v11 =	vadd.s32 $0x7FFF, v11;
	v36 =	vld [tilespmem:s2+$0xFFFFFF00]  }
0x155: {  	v12 =	vshrl.u32 v12, $0x10;
	v13 =	vand.u32 $0xFFFF0000, v13;
	v14 =	vshrl.u32 v14, $0x10;
	v19 =	vld [tilespmem:s2+$0xFFFFFF80]  }
0x156: {  	v37 =	vadd.s32 s6, v5;
	v40 =	vld [tilespmem:s2+$0x0];
	s22 =	sadd.s32 $0x3, s6;
	s23 =	sadd.s32 $0x1, s6;
	v9 =	vor.u32 v9, v10;
	v35 =	vor.u32 v12, v13  }
0x157: {  	v44 =	vld [tilespmem:s2+$0x80];
	s24 =	sadd.s32 $0x2, s6;
	v11 =	vand.u32 $0xFFFF0000, v11;
	v48 =	vadd.s32 s22, v5;
	v50 =	vadd.s32 s23, v5  }
0x158: {  	v51 =	vadd.s32 s24, v5;
	v17 =	vshrl.u32 v7, $0x10;
	v18 =	vshrl.u32 v8, $0x10  }
0x159: {  	v11 =	vor.u32 v14, v11;
	v38 =	vand.u32 $0x1, v17;
	v39 =	vand.u32 $0x1, v18  }
0x15a: {  	v20 =	vshrl.u32 v15, $0x10;
	v41 =	vadd.s32 v38, v7;
	v43 =	vshrl.u32 v16, $0x10  }
0x15b: {  	v45 =	vshrl.u32 v36, $0x10;
	v46 =	vshrl.u32 v19, $0x10;
	v47 =	vshrl.u32 v40, $0x10  }
0x15c: {  	v49 =	vshrl.u32 v44, $0x10;
	v42 =	vadd.s32 v39, v8;
	v7 =	vadd.s32 $0x7FFF, v41  }
0x15d: {  	v14 =	vand.u32 $0x1, v43;
	v20 =	vand.u32 $0x1, v20;
	v8 =	vadd.s32 $0x7FFF, v42  }
0x15e: {  	v7 =	vshrl.u32 v7, $0x10;
	v14 =	vadd.s32 v14, v16;
	v15 =	vadd.s32 v20, v15  }
0x15f: {  	v16 =	vand.u32 $0x1, v46;
	v20 =	vand.u32 $0x1, v47;
	v8 =	vand.u32 $0xFFFF0000, v8  }
0x160: {  	v16 =	vadd.s32 v16, v19;
	v18 =	vadd.s32 v20, v40;
	v19 =	vand.u32 $0x1, v49  }
0x161: {  	v52 =	vadd.s32 $0x7FFF, v14;
	v53 =	vadd.s32 $0x7FFF, v15;
	v7 =	vor.u32 v7, v8  }
0x162: {  	s17 =	sadd.s32 $0x1, s17;
	[tilespmem:v6+s28+$0x0] =	vst.idx.msk $0xffff, v9;
	v8 =	vand.u32 $0x1, v45;
	v54 =	vadd.s32 v19, v44;
	v55 =	vadd.s32 $0x7FFF, v16  }
0x163: {  	p1 =	sne.s32 s17, $0x8;
	[tilespmem:v3+s28+$0x0] =	vst.idx.msk $0xffff, v35;
	v56 =	vadd.s32 $0x7FFF, v18;
	v57 =	vshrl.u32 v52, $0x10;
	v58 =	vand.u32 $0xFFFF0000, v53  }
.Ltmp15:
0x164: {  	[tilespmem:v4+s28+$0x0] =	vst.idx.msk $0xffff, v11;
	v8 =	vadd.s32 v8, v36;
	v59 =	vadd.s32 $0x7FFF, v54;
	v4 =	vor.u32 v57, v58;
	(pc) =	sbr.rel @p1 .LBB2_22-.Ltmp15, $4  }
0x165: {  	[tilespmem:v48+s28+$0x0] =	vst.idx.msk $0xffff, v7;
	v61 =	vshrl.u32 v56, $0x10;
	v3 =	vadd.s32 $0x7FFF, v8;
	v62 =	vand.u32 $0xFFFF0000, v59  }
0x166: {  	v60 =	vand.u32 $0xFFFF0000, v55;
	[tilespmem:v37+s28+$0x0] =	vst.idx.msk $0xffff, v4;
	v3 =	vshrl.u32 v3, $0x10;
	v63 =	vor.u32 v61, v62  }
0x167: {  	v3 =	vor.u32 v3, v60;
	[tilespmem:v51+s28+$0x0] =	vst.idx.msk $0xffff, v63  }
0x168: {  	s10 =	sadd.s32 $0x10, s10;
	[tilespmem:v50+s28+$0x0] =	vst.idx.msk $0xffff, v3  }
0x169: {  	s2 =	simm.s32 $0x63  }
0x16a: {  	s6 =	simm.s32 $0x10;
	v3 =	vadd.s32 s2, v0  }
0x16b: {  	s18 =	simm.s32 $0x42;
	v4 =	vadd.s32 s6, v0  }
0x16c: {  	s20 =	simm.s32 $0x0;
	v5 =	vadd.s32 s18, v0  }
0x16d: {  	s21 =	simm.s32 $0x21;
	v6 =	vadd.s32 s20, v0  }
0x16e: {  	s22 =	simm.s32 $0x31;
	v7 =	vadd.s32 s21, v0  }
0x16f: {  	s9 =	simm.s32 $0x52;
	v13 =	vadd.s32 s22, v0;
	v3 =	vld.idx.msk [tilespmem:v3+s28+$0x0], $0xffff  }
0x170: {  	s23 =	simm.s32 $0x73;
	v12 =	vadd.s32 s9, v0;
	v9 =	vld.idx.msk [tilespmem:v4+s28+$0x0], $0xffff  }
0x171: {  	s10 =	simm.s32 $0xA040;
	s18 =	simm.s32 $0xE7;
	v10 =	vld.idx.msk [tilespmem:v5+s28+$0x0], $0xffff;
	v5 =	vadd.s32 s23, v0  }
0x172: {  	s24 =	simm.s32 $0xA5;
	s17 =	simm.s32 $0xC6;
	s22 =	simm.s32 $0x94;
	v14 =	vadd.s32 s18, v0;
	v6 =	vld.idx.msk [tilespmem:v6+s28+$0x0], $0xffff  }
0x173: {  	s2 =	simm.s32 $0x60;
	s9 =	simm.s32 $0xF7;
	s21 =	simm.s32 $0x84;
	v8 =	vadd.s32 s17, v0;
	v16 =	vadd.s32 s22, v0;
	v11 =	vld.idx.msk [tilespmem:v7+s28+$0x0], $0xffff  }
0x174: {  	s20 =	simm.s32 $0x4;
	s6 =	simm.s32 $0xA040;
	s17 =	simm.s32 $0x60;
	v15 =	vadd.s32 s9, v0;
	v4 =	vadd.s32 s24, v0;
	v7 =	vadd.s32 s21, v0;
	v13 =	vld.idx.msk [tilespmem:v13+s28+$0x0], $0xffff  }
.LBB2_26:
0x175: {  	s20 =	sadd.s32 $0x4, s20;
	[tilespmem:s10+$0xFFFFFFD0] =	vst v9;
	v17 =	vld.idx.msk [tilespmem:v12+s28+$0x0], $0xffff;
	s2 =	sadd.s32 $0x80, s2;
	s6 =	sadd.s32 $0x80, s6  }
0x176: {  	s18 =	sadd.s32 $0xFFFFFFBE, s9;
	p1 =	slt.u32 s20, $0x7C;
	[tilespmem:s10+$0x0] =	vst v10;
	v18 =	vld.idx.msk [tilespmem:v5+s28+$0x0], $0xffff;
	v5 =	vmov v15  }
0x177: {  	s21 =	sadd.s32 $0xFFFFFFE0, s17;
	v19 =	vadd.s32 s18, v0;
	s18 =	sadd.s32 $0xFFFFFFDF, s9;
	[tilespmem:s10+$0x20] =	vst v3;
	v3 =	vld.idx.msk [tilespmem:v14+s28+$0x0], $0xffff  }
0x178: {  	s21 =	sor.u32 $0x50, s21;
	v12 =	vadd.s32 s18, v0;
	s18 =	sadd.s32 $0xFFFFFFC0, s17;
	v9 =	vld.idx.msk [tilespmem:v16+s28+$0x0], $0xffff;
	[tilespmem:s10+$0xFFFFFFC0] =	vst v6  }
.Ltmp16:
0x179: {  	s9 =	sadd.s32 $0x84, s9;
	v10 =	vld.idx.msk [tilespmem:v8+s28+$0x0], $0xffff;
	[tilespmem:s10+$0xFFFFFFE0] =	vst v11;
	s10 =	sor.u32 $0x30, s18;
	(pc) =	sbr.rel @p1 .LBB2_26-.Ltmp16, $4  }
0x17a: {  	s22 =	sadd.s32 $0xFFFFFFCF, s9;
	s23 =	sadd.s32 $0xFFFFFFF0, s9;
	s18 =	sadd.s32 $0xFFFFFFAE, s9;
	v6 =	vld.idx.msk [tilespmem:v7+s28+$0x0], $0xffff;
	[tilespmem:s10+$0xA000] =	vst v13  }
0x17b: {  	s24 =	sadd.s32 $0xFFFFFF9D, s9;
	s17 =	sor.u32 $0x70, s17;
	v14 =	vadd.s32 s23, v0;
	v8 =	vadd.s32 s22, v0;
	s10 =	sadd.s32 $0xFFFFFF8D, s9;
	v13 =	vadd.s32 s18, v0;
	[tilespmem:s21+$0xA000] =	vst v17  }
0x17c: {  	v16 =	vadd.s32 s24, v0;
	v7 =	vadd.s32 s10, v0;
	s10 =	smov.u32 s6;
	v11 =	vld.idx.msk [tilespmem:v4+s28+$0x0], $0xffff;
	[tilespmem:s17+$0xA000] =	vst v18;
	v4 =	vmov v13;
	s17 =	smov.u32 s2  }
0x17d: {  	v15 =	vadd.s32 s9, v0;
	v13 =	vld.idx.msk [tilespmem:v19+s28+$0x0], $0xffff  }
0x17e: {  	_ =	sdelay $0x2  }
0x17f: {  	[tilespmem:s10+$0xFFFFFFD0] =	vst v9  }
0x180: {  	v57 =	vld.idx.msk [tilespmem:v12+s28+$0x0], $0xffff;
	[tilespmem:s10+$0x0] =	vst v10  }
0x181: {  	v5 =	vld.idx.msk [tilespmem:v5+s28+$0x0], $0xffff;
	[tilespmem:s10+$0x20] =	vst v3  }
0x182: {  	s18 =	sadd.s32 $0xFFFFFFBE, s9;
	v3 =	vld.idx.msk [tilespmem:v16+s28+$0x0], $0xffff;
	s22 =	sadd.s32 $0xFFFFFFC0, s17;
	[tilespmem:s10+$0xFFFFFFC0] =	vst v6  }
0x183: {  	s21 =	sadd.s32 $0xFFFFFFDF, s9;
	v59 =	vld.idx.msk [tilespmem:v14+s28+$0x0], $0xffff;
	s23 =	sadd.s32 $0xFFFFFFE0, s17;
	v58 =	vadd.s32 s18, v0;
	s9 =	sor.u32 $0x30, s22;
	[tilespmem:s10+$0xFFFFFFE0] =	vst v11  }
0x184: {  	v7 =	vld.idx.msk [tilespmem:v7+s28+$0x0], $0xffff;
	v60 =	vadd.s32 s21, v0;
	s24 =	sor.u32 $0x50, s23;
	[tilespmem:s9+$0xA000] =	vst v13  }
0x185: {  	v61 =	vld.idx.msk [tilespmem:v8+s28+$0x0], $0xffff;
	s17 =	sor.u32 $0x70, s17;
	[tilespmem:s24+$0xA000] =	vst v57  }
0x186: {  	v4 =	vld.idx.msk [tilespmem:v4+s28+$0x0], $0xffff;
	s6 =	sadd.s32 $0x80, s6;
	[tilespmem:s17+$0xA000] =	vst v5  }
0x187: {  	v63 =	vld.idx.msk [tilespmem:v15+s28+$0x0], $0xffff;
	[tilespmem:s6+$0xFFFFFFD0] =	vst v3  }
0x188: {  	[tilespmem:s6+$0x20] =	vst v59;
	v62 =	vld.idx.msk [tilespmem:v58+s28+$0x0], $0xffff  }
0x189: {  	[tilespmem:s6+$0xFFFFFFC0] =	vst v7;
	v3 =	vld.idx.msk [tilespmem:v60+s28+$0x0], $0xffff  }
0x18a: {  	s2 =	sadd.s32 $0x80, s2;
	[tilespmem:s6+$0x0] =	vst v61  }
0x18b: {  	s18 =	sadd.s32 $0xFFFFFFC0, s2;
	s20 =	sadd.s32 $0xFFFFFFE0, s2;
	s2 =	sor.u32 $0x70, s2;
	[tilespmem:s6+$0xFFFFFFE0] =	vst v4  }
0x18c: {  	p1 =	sge.u32 s7, s13;
	s23 =	sshll.u32 s8, $0x9;
	s21 =	sor.u32 $0x30, s18;
	[tilespmem:s2+$0xA000] =	vst v63  }
.Ltmp17:
0x18d: {  	s22 =	sor.u32 $0x50, s20;
	s6 =	sand.u32 $0x1FFFFE00, s23;
	[tilespmem:s21+$0xA000] =	vst v62;
	(pc) =	sbr.rel .LBB2_28-.Ltmp17, $4  }
0x18e: {  	s7 =	simm.s32 @!p1 $0xC3800;
	s2 =	sshll.u32 @!p1 s8, $0x7;
	s24 =	sadd.s32 s1, s6;
	[tilespmem:s22+$0xA000] =	vst v3  }
0x18f: {  	[hbm4b:s24+s3] =	stream.linear.scatter [tilespmem:s0], [sflag:$0x6], $0x1000, $0x38;
	[tilespmem:$0x18880] =	vst v63  }
0x190: {  	s8 =	simm.s32 @!p1 $0x4000;
	s2 =	sadd.s32 @!p1 s2, s14;
	s6 =	simm.s32 @!p1 $0x400  }
0x191: {  	[tilespmem:s8], [sflag:$0x3] =	stream.strided.gather @!p1 [hbm4b:s2+s6], $0x2000, s7, s6, $0x38;
	[tilespmem:$0x18880] =	vst v63  }
.LBB2_29:
0x192: {  	s2 =	simm.s32 $0x4  }
0x193: {  	_ =	swait.ge [sflag:s2], $0x1000  }
0x194: {  	[sflag:s2] =	ssyncset.done $0x0  }
0x195: {  	s23 =	simm.s32 $0x5;
	[sflag:s2] =	ssyncadd.s32 $0xFFFFF000  }
0x196: {  	_ =	swait.ge [sflag:s23], $0x1000  }
.Ltmp18:
0x197: {  	[sflag:s23] =	ssyncset.done $0x0;
	(pc) =	sbr.rel @p0 .LBB2_37-.Ltmp18, $4  }
0x198: {  	s24 =	simm.s32 $0x6;
	[sflag:s23] =	ssyncadd.s32 $0xFFFFF000  }
0x199: {  	_ =	swait.ge [sflag:s24], $0x1000  }
0x19a: {  	[sflag:s24] =	ssyncset.done $0x0  }
0x19b: {  	s17 =	simm.s32 $0x7;
	[sflag:s24] =	ssyncadd.s32 $0xFFFFF000  }
0x19c: {  	s2 =	rddreg [dreg:$0xa];
	s6 =	simm.s32 $0x400  }
0x19d: {  	s7 =	simm.s32 $0xC3800;
	s8 =	simm.s32 $0x6000;
	s24 =	simm.s32 $0x8  }
0x19e: {  	[tilespmem:s8], [sflag:$0x8] =	stream.strided.gather [hbm4b:s2+s6], $0x2000, s7, s6, $0x38;
	[tilespmem:$0x18880] =	vst v63  }
0x19f: {  	_ =	swait.ge [sflag:s24], $0x2000  }
0x1a0: {  	p2 =	por $0x1, $0x1;
	[sflag:s24] =	ssyncset.done $0x0  }
0x1a1: {  	s9 =	simm.s32 $0x0;
	s7 =	simm.s32 $0x0;
	[sflag:s24] =	ssyncadd.s32 $0xFFFFE000  }
.LBB2_31:
0x1a2: {  	s2 =	sshll.u32 s9, $0x2  }
0x1a3: {  	s2 =	sshra.s32 s2, $0x2  }
0x1a4: {  	s2 =	sadd.s32 $0x6200, s2  }
0x1a5: {  	v3 =	vmov s9;
	v7 =	vld [tilespmem:s2+$0x100]  }
0x1a6: {  	v3 =	vmul.u32 $0x21, v3;
	v8 =	vld [tilespmem:s2+$0x180]  }
0x1a7: {  	v9 =	vld [tilespmem:s2+$0xFFFFFE80]  }
0x1a8: {  	v3 =	vbroadcast v3, $0x0;
	v12 =	vld [tilespmem:s2+$0x0]  }
0x1a9: {  	v13 =	vld [tilespmem:s2+$0x80]  }
0x1aa: {  	s6 =	simm.s32 $0x1;
	v5 =	vadd.s32 v2, v3  }
0x1ab: {  	s23 =	simm.s32 $0x2;
	s24 =	simm.s32 $0x3;
	v10 =	vld [tilespmem:s2+$0xFFFFFF00];
	v6 =	vadd.s32 s7, v5;
	v3 =	vadd.s32 s6, v5  }
0x1ac: {  	v11 =	vld [tilespmem:s2+$0xFFFFFF80];
	v4 =	vadd.s32 s23, v5;
	v17 =	vadd.s32 s24, v5;
	v14 =	vshrl.u32 v7, $0x10  }
0x1ad: {  	v15 =	vshrl.u32 v8, $0x10;
	v18 =	vshrl.u32 v9, $0x10;
	v19 =	vshrl.u32 v12, $0x10  }
0x1ae: {  	v20 =	vshrl.u32 v13, $0x10;
	v14 =	vand.u32 $0x1, v14;
	v15 =	vand.u32 $0x1, v15  }
0x1af: {  	v16 =	vld [tilespmem:s2+$0xFFFFFE00];
	v18 =	vand.u32 $0x1, v18;
	v19 =	vand.u32 $0x1, v19;
	v20 =	vand.u32 $0x1, v20  }
0x1b0: {  	v7 =	vadd.s32 v14, v7;
	v8 =	vadd.s32 v15, v8;
	v14 =	vshrl.u32 v10, $0x10  }
0x1b1: {  	v15 =	vshrl.u32 v11, $0x10;
	v18 =	vadd.s32 v18, v9;
	v19 =	vadd.s32 v19, v12  }
0x1b2: {  	v7 =	vadd.s32 $0x7FFF, v7;
	v8 =	vadd.s32 $0x7FFF, v8;
	v14 =	vand.u32 $0x1, v14  }
0x1b3: {  	v15 =	vand.u32 $0x1, v15;
	v7 =	vshrl.u32 v7, $0x10;
	v8 =	vand.u32 $0xFFFF0000, v8  }
0x1b4: {  	v14 =	vadd.s32 v14, v10;
	v8 =	vor.u32 v7, v8;
	v7 =	vshrl.u32 v16, $0x10  }
0x1b5: {  	s8 =	sadd.s32 $0x400, s2;
	v15 =	vadd.s32 v15, v11;
	v10 =	vadd.s32 $0x7FFF, v18;
	v7 =	vand.u32 $0x1, v7  }
0x1b6: {  	v11 =	vadd.s32 v20, v13;
	v12 =	vadd.s32 $0x7FFF, v14;
	[tilespmem:v17+s28+$0x0] =	vst.idx.msk $0xffff, v8;
	v8 =	vld [tilespmem:s8+$0x180];
	v16 =	vadd.s32 v7, v16  }
0x1b7: {  	p1 =	por p2, p2;
	s2 =	simm.s32 $0x8;
	s6 =	simm.s32 $0x4;
	v13 =	vadd.s32 $0x7FFF, v15;
	v14 =	vadd.s32 $0x7FFF, v19;
	v7 =	vld [tilespmem:s8+$0x100];
	v9 =	vadd.s32 $0x7FFF, v16  }
.LBB2_32:
0x1b8: {  	p2 =	slt.u32 s2, $0x1C;
	v15 =	vld [tilespmem:s8+$0xFFFFFE80];
	v9 =	vshrl.u32 v9, $0x10;
	v10 =	vand.u32 $0xFFFF0000, v10;
	v11 =	vadd.s32 $0x7FFF, v11  }
0x1b9: {  	v12 =	vshrl.u32 v12, $0x10;
	v13 =	vand.u32 $0xFFFF0000, v13;
	v14 =	vshrl.u32 v14, $0x10;
	v16 =	vld [tilespmem:s8+$0xFFFFFF00]  }
0x1ba: {  	s9 =	sadd.s32 $0x1, s6;
	v9 =	vor.u32 v9, v10;
	v10 =	vor.u32 v12, v13;
	v11 =	vand.u32 $0xFFFF0000, v11;
	v17 =	vld [tilespmem:s8+$0xFFFFFF80]  }
0x1bb: {  	v12 =	vadd.s32 s9, v5;
	s9 =	sadd.s32 $0x2, s6;
	v13 =	vld [tilespmem:s8+$0x0];
	[tilespmem:v6+s28+$0x0] =	vst.idx.msk $0xffff, v9;
	v6 =	vadd.s32 s6, v5;
	v9 =	vor.u32 v14, v11  }
0x1bc: {  	v14 =	vadd.s32 s9, v5;
	s9 =	sadd.s32 $0x3, s6;
	v18 =	vshrl.u32 v7, $0x10;
	s6 =	smov.u32 s2;
	v11 =	vld [tilespmem:s8+$0x80];
	v19 =	vshrl.u32 v8, $0x10;
	[tilespmem:v3+s28+$0x0] =	vst.idx.msk $0xffff, v10;
	v3 =	vmovc v12  }
0x1bd: {  	v12 =	vadd.s32 s9, v5;
	v18 =	vand.u32 $0x1, v18;
	v10 =	vld [tilespmem:s8+$0xFFFFFE00];
	v19 =	vand.u32 $0x1, v19;
	[tilespmem:v4+s28+$0x0] =	vst.idx.msk $0xffff, v9;
	v4 =	vmovc v14  }
0x1be: {  	v9 =	vshrl.u32 v15, $0x10;
	v7 =	vadd.s32 v18, v7;
	v8 =	vadd.s32 v19, v8  }
0x1bf: {  	v14 =	vshrl.u32 v16, $0x10;
	v7 =	vadd.s32 $0x7FFF, v7;
	v8 =	vadd.s32 $0x7FFF, v8  }
0x1c0: {  	v18 =	vshrl.u32 v17, $0x10;
	v7 =	vshrl.u32 v7, $0x10;
	v8 =	vand.u32 $0xFFFF0000, v8  }
0x1c1: {  	v19 =	vshrl.u32 v13, $0x10;
	v20 =	vshrl.u32 v11, $0x10;
	v7 =	vor.u32 v7, v8  }
0x1c2: {  	v9 =	vand.u32 $0x1, v9;
	v14 =	vand.u32 $0x1, v14;
	v8 =	vshrl.u32 v10, $0x10;
	[tilespmem:v12+s28+$0x0] =	vst.idx.msk $0xffff, v7  }
.Ltmp19:
0x1c3: {  	v12 =	vand.u32 $0x1, v19;
	v7 =	vand.u32 $0x1, v8;
	v8 =	vand.u32 $0x1, v18;
	(pc) =	sbr.rel @p2 .LBB2_32-.Ltmp19, $4  }
0x1c4: {  	v15 =	vadd.s32 v9, v15;
	v18 =	vand.u32 $0x1, v20;
	v10 =	vadd.s32 v7, v10  }
0x1c5: {  	s8 =	sadd.s32 $0x400, s8;
	v14 =	vadd.s32 v14, v16;
	v16 =	vadd.s32 v8, v17;
	v17 =	vadd.s32 v12, v13  }
0x1c6: {  	v11 =	vadd.s32 v18, v11;
	v9 =	vadd.s32 $0x7FFF, v10;
	v10 =	vadd.s32 $0x7FFF, v15;
	v7 =	vld [tilespmem:s8+$0x100]  }
0x1c7: {  	s2 =	sadd.s32 $0x4, s2;
	v12 =	vadd.s32 $0x7FFF, v14;
	v13 =	vadd.s32 $0x7FFF, v16;
	v14 =	vadd.s32 $0x7FFF, v17;
	v8 =	vld [tilespmem:s8+$0x180]  }
0x1c8: {  	v15 =	vld [tilespmem:s8+$0xFFFFFE80]  }
0x1c9: {  	v16 =	vld [tilespmem:s8+$0xFFFFFE00]  }
0x1ca: {  	v9 =	vshrl.u32 v9, $0x10;
	v10 =	vand.u32 $0xFFFF0000, v10;
	v11 =	vadd.s32 $0x7FFF, v11;
	v36 =	vld [tilespmem:s8+$0xFFFFFF00]  }
0x1cb: {  	v12 =	vshrl.u32 v12, $0x10;
	v13 =	vand.u32 $0xFFFF0000, v13;
	v14 =	vshrl.u32 v14, $0x10;
	v19 =	vld [tilespmem:s8+$0xFFFFFF80]  }
0x1cc: {  	v37 =	vadd.s32 s6, v5;
	v40 =	vld [tilespmem:s8+$0x0];
	s2 =	sadd.s32 $0x3, s6;
	s23 =	sadd.s32 $0x1, s6;
	v9 =	vor.u32 v9, v10;
	v35 =	vor.u32 v12, v13  }
0x1cd: {  	v44 =	vld [tilespmem:s8+$0x80];
	s24 =	sadd.s32 $0x2, s6;
	v11 =	vand.u32 $0xFFFF0000, v11;
	v48 =	vadd.s32 s2, v5;
	v50 =	vadd.s32 s23, v5  }
0x1ce: {  	v51 =	vadd.s32 s24, v5;
	v17 =	vshrl.u32 v7, $0x10;
	v18 =	vshrl.u32 v8, $0x10  }
0x1cf: {  	v11 =	vor.u32 v14, v11;
	v38 =	vand.u32 $0x1, v17;
	v39 =	vand.u32 $0x1, v18  }
0x1d0: {  	v20 =	vshrl.u32 v15, $0x10;
	v41 =	vadd.s32 v38, v7;
	v43 =	vshrl.u32 v16, $0x10  }
0x1d1: {  	v45 =	vshrl.u32 v36, $0x10;
	v46 =	vshrl.u32 v19, $0x10;
	v47 =	vshrl.u32 v40, $0x10  }
0x1d2: {  	v49 =	vshrl.u32 v44, $0x10;
	v42 =	vadd.s32 v39, v8;
	v7 =	vadd.s32 $0x7FFF, v41  }
0x1d3: {  	v14 =	vand.u32 $0x1, v43;
	v20 =	vand.u32 $0x1, v20;
	v8 =	vadd.s32 $0x7FFF, v42  }
0x1d4: {  	v7 =	vshrl.u32 v7, $0x10;
	v14 =	vadd.s32 v14, v16;
	v15 =	vadd.s32 v20, v15  }
0x1d5: {  	v16 =	vand.u32 $0x1, v46;
	v20 =	vand.u32 $0x1, v47;
	v8 =	vand.u32 $0xFFFF0000, v8  }
0x1d6: {  	v16 =	vadd.s32 v16, v19;
	v18 =	vadd.s32 v20, v40;
	v19 =	vand.u32 $0x1, v49  }
0x1d7: {  	v52 =	vadd.s32 $0x7FFF, v14;
	v53 =	vadd.s32 $0x7FFF, v15;
	v7 =	vor.u32 v7, v8  }
0x1d8: {  	[tilespmem:v6+s28+$0x0] =	vst.idx.msk $0xffff, v9;
	v8 =	vand.u32 $0x1, v45;
	v54 =	vadd.s32 v19, v44;
	v55 =	vadd.s32 $0x7FFF, v16  }
0x1d9: {  	[tilespmem:v3+s28+$0x0] =	vst.idx.msk $0xffff, v35;
	v56 =	vadd.s32 $0x7FFF, v18;
	v57 =	vshrl.u32 v52, $0x10;
	v58 =	vand.u32 $0xFFFF0000, v53  }
.Ltmp20:
0x1da: {  	[tilespmem:v4+s28+$0x0] =	vst.idx.msk $0xffff, v11;
	v8 =	vadd.s32 v8, v36;
	v59 =	vadd.s32 $0x7FFF, v54;
	v4 =	vor.u32 v57, v58;
	(pc) =	sbr.rel @p1 .LBB2_31-.Ltmp20, $4  }
0x1db: {  	[tilespmem:v48+s28+$0x0] =	vst.idx.msk $0xffff, v7;
	v61 =	vshrl.u32 v56, $0x10;
	v3 =	vadd.s32 $0x7FFF, v8;
	v62 =	vand.u32 $0xFFFF0000, v59  }
0x1dc: {  	v60 =	vand.u32 $0xFFFF0000, v55;
	[tilespmem:v37+s28+$0x0] =	vst.idx.msk $0xffff, v4;
	v3 =	vshrl.u32 v3, $0x10;
	v63 =	vor.u32 v61, v62  }
0x1dd: {  	s6 =	simm.s32 $0x60;
	s8 =	simm.s32 $0x73;
	v3 =	vor.u32 v3, v60;
	[tilespmem:v51+s28+$0x0] =	vst.idx.msk $0xffff, v63  }
0x1de: {  	s9 =	simm.s32 $0x10;
	p2 =	por $0x0, $0x0;
	s2 =	simm.s32 $0x8040;
	[tilespmem:v50+s28+$0x0] =	vst.idx.msk $0xffff, v3  }
0x1df: {  	s7 =	simm.s32 $0x63  }
0x1e0: {  	s9 =	simm.s32 $0x10;
	v3 =	vadd.s32 s7, v0  }
0x1e1: {  	s17 =	simm.s32 $0x42;
	v5 =	vadd.s32 s9, v0  }
0x1e2: {  	s18 =	simm.s32 $0x0;
	v6 =	vadd.s32 s17, v0  }
0x1e3: {  	s20 =	simm.s32 $0x21;
	v7 =	vadd.s32 s18, v0  }
0x1e4: {  	s21 =	simm.s32 $0x31;
	v11 =	vadd.s32 s20, v0  }
0x1e5: {  	s22 =	simm.s32 $0x52;
	v13 =	vadd.s32 s21, v0;
	v4 =	vld.idx.msk [tilespmem:v3+s28+$0x0], $0xffff  }
0x1e6: {  	v12 =	vadd.s32 s22, v0;
	v10 =	vld.idx.msk [tilespmem:v5+s28+$0x0], $0xffff  }
0x1e7: {  	s10 =	simm.s32 $0xE7;
	v9 =	vld.idx.msk [tilespmem:v6+s28+$0x0], $0xffff;
	v5 =	vadd.s32 s8, v0  }
0x1e8: {  	s24 =	simm.s32 $0xC6;
	s17 =	simm.s32 $0x94;
	v14 =	vadd.s32 s10, v0;
	v6 =	vld.idx.msk [tilespmem:v7+s28+$0x0], $0xffff  }
0x1e9: {  	s23 =	simm.s32 $0xA5;
	s16 =	simm.s32 $0x84;
	v8 =	vadd.s32 s24, v0;
	v16 =	vadd.s32 s17, v0;
	s8 =	simm.s32 $0xF7;
	v11 =	vld.idx.msk [tilespmem:v11+s28+$0x0], $0xffff  }
0x1ea: {  	s10 =	simm.s32 $0x4;
	s7 =	simm.s32 $0x8040;
	s9 =	simm.s32 $0x60;
	v3 =	vadd.s32 s23, v0;
	v7 =	vadd.s32 s16, v0;
	v13 =	vld.idx.msk [tilespmem:v13+s28+$0x0], $0xffff;
	v15 =	vadd.s32 s8, v0  }
.LBB2_35:
0x1eb: {  	s10 =	sadd.s32 $0x4, s10;
	[tilespmem:s2+$0xFFFFFFD0] =	vst v10;
	v17 =	vld.idx.msk [tilespmem:v12+s28+$0x0], $0xffff;
	s6 =	sadd.s32 $0x80, s6;
	s7 =	sadd.s32 $0x80, s7  }
0x1ec: {  	s16 =	sadd.s32 $0xFFFFFFBE, s8;
	p1 =	slt.u32 s10, $0x1C;
	[tilespmem:s2+$0x0] =	vst v9;
	v18 =	vld.idx.msk [tilespmem:v5+s28+$0x0], $0xffff;
	v5 =	vmov v15  }
0x1ed: {  	s17 =	sadd.s32 $0xFFFFFFE0, s9;
	v19 =	vadd.s32 s16, v0;
	s16 =	sadd.s32 $0xFFFFFFDF, s8;
	[tilespmem:s2+$0x20] =	vst v4;
	v4 =	vld.idx.msk [tilespmem:v14+s28+$0x0], $0xffff  }
0x1ee: {  	s17 =	sor.u32 $0x50, s17;
	v12 =	vadd.s32 s16, v0;
	s16 =	sadd.s32 $0xFFFFFFC0, s9;
	v10 =	vld.idx.msk [tilespmem:v16+s28+$0x0], $0xffff;
	[tilespmem:s2+$0xFFFFFFC0] =	vst v6  }
.Ltmp21:
0x1ef: {  	s8 =	sadd.s32 $0x84, s8;
	v9 =	vld.idx.msk [tilespmem:v8+s28+$0x0], $0xffff;
	[tilespmem:s2+$0xFFFFFFE0] =	vst v11;
	s2 =	sor.u32 $0x30, s16;
	(pc) =	sbr.rel @p1 .LBB2_35-.Ltmp21, $4  }
0x1f0: {  	s18 =	sadd.s32 $0xFFFFFFCF, s8;
	s20 =	sadd.s32 $0xFFFFFFF0, s8;
	s16 =	sadd.s32 $0xFFFFFFAE, s8;
	v6 =	vld.idx.msk [tilespmem:v7+s28+$0x0], $0xffff;
	[tilespmem:s2+$0x8000] =	vst v13  }
0x1f1: {  	s21 =	sadd.s32 $0xFFFFFF9D, s8;
	s9 =	sor.u32 $0x70, s9;
	v14 =	vadd.s32 s20, v0;
	v8 =	vadd.s32 s18, v0;
	s2 =	sadd.s32 $0xFFFFFF8D, s8;
	v13 =	vadd.s32 s16, v0;
	[tilespmem:s17+$0x8000] =	vst v17  }
0x1f2: {  	v16 =	vadd.s32 s21, v0;
	v7 =	vadd.s32 s2, v0;
	s2 =	smov.u32 s7;
	v11 =	vld.idx.msk [tilespmem:v3+s28+$0x0], $0xffff;
	[tilespmem:s9+$0x8000] =	vst v18;
	v3 =	vmov v13;
	s9 =	smov.u32 s6  }
0x1f3: {  	v15 =	vadd.s32 s8, v0;
	v13 =	vld.idx.msk [tilespmem:v19+s28+$0x0], $0xffff  }
0x1f4: {  	_ =	sdelay $0x2  }
0x1f5: {  	[tilespmem:s2+$0xFFFFFFD0] =	vst v10  }
0x1f6: {  	v55 =	vld.idx.msk [tilespmem:v12+s28+$0x0], $0xffff;
	[tilespmem:s2+$0x0] =	vst v9  }
0x1f7: {  	s10 =	sadd.s32 $0xFFFFFFBE, s8;
	v5 =	vld.idx.msk [tilespmem:v5+s28+$0x0], $0xffff;
	[tilespmem:s2+$0x20] =	vst v4  }
0x1f8: {  	v58 =	vld.idx.msk [tilespmem:v16+s28+$0x0], $0xffff;
	v56 =	vadd.s32 s10, v0;
	[tilespmem:s2+$0xFFFFFFC0] =	vst v6;
	s10 =	sadd.s32 $0xFFFFFFC0, s9  }
0x1f9: {  	s24 =	sadd.s32 $0xFFFFFFDF, s8;
	v57 =	vld.idx.msk [tilespmem:v14+s28+$0x0], $0xffff;
	s16 =	sadd.s32 $0xFFFFFFE0, s9;
	s17 =	sor.u32 $0x30, s10;
	[tilespmem:s2+$0xFFFFFFE0] =	vst v11  }
0x1fa: {  	v7 =	vld.idx.msk [tilespmem:v7+s28+$0x0], $0xffff;
	v59 =	vadd.s32 s24, v0;
	s18 =	sor.u32 $0x50, s16;
	[tilespmem:s17+$0x8000] =	vst v13  }
0x1fb: {  	v60 =	vld.idx.msk [tilespmem:v8+s28+$0x0], $0xffff;
	s20 =	sor.u32 $0x70, s9;
	[tilespmem:s18+$0x8000] =	vst v55  }
0x1fc: {  	v3 =	vld.idx.msk [tilespmem:v3+s28+$0x0], $0xffff;
	s7 =	sadd.s32 $0x80, s7;
	[tilespmem:s20+$0x8000] =	vst v5  }
0x1fd: {  	v63 =	vld.idx.msk [tilespmem:v15+s28+$0x0], $0xffff;
	[tilespmem:s7+$0xFFFFFFD0] =	vst v58  }
0x1fe: {  	[tilespmem:s7+$0x20] =	vst v57;
	v61 =	vld.idx.msk [tilespmem:v56+s28+$0x0], $0xffff  }
0x1ff: {  	[tilespmem:s7+$0xFFFFFFC0] =	vst v7;
	v62 =	vld.idx.msk [tilespmem:v59+s28+$0x0], $0xffff  }
0x200: {  	s21 =	sadd.s32 $0x80, s6;
	[tilespmem:s7+$0x0] =	vst v60  }
0x201: {  	s6 =	sadd.s32 $0xFFFFFFC0, s21;
	s2 =	sor.u32 $0x70, s21;
	[tilespmem:s7+$0xFFFFFFE0] =	vst v3  }
0x202: {  	s22 =	sadd.s32 $0xFFFFFFE0, s21;
	s6 =	sor.u32 $0x30, s6;
	[tilespmem:s2+$0x8000] =	vst v63  }
0x203: {  	s23 =	sor.u32 $0x50, s22;
	[tilespmem:s6+$0x8000] =	vst v61  }
0x204: {  	[tilespmem:s23+$0x8000] =	vst v62  }
.Ltmp22:
0x205: {  	s24 =	simm.s32 $0x8;
	s2 =	rddreg [dreg:$0xb];
	(pc) =	sbr.rel .LBB2_37-.Ltmp22, $4  }
0x206: {  	[hbm4b:s2+s3] =	stream.linear.scatter [tilespmem:s19], [sflag:$0x8], $0x400, $0x38;
	[tilespmem:$0x18880] =	vst v63  }
0x207: {  	_ =	swait.ge [sflag:s24], $0x400  }
0x208: {  	[sflag:s24] =	ssyncset.done $0x0  }
0x209: {  	s17 =	simm.s32 $0x7;
	[sflag:s24] =	ssyncadd.s32 $0xFFFFFC00  }
.LBB2_38:
0x20a: {  	_ =	sfence.sel $0x180000  }
0x20b: {  	[bflag:$0x0] =	sbarrier.arrive $0xFFFF  }
0x20c: {  	_ =	strace $0x90000047  }
0x20d: {  	s0 =	stileid.u32;
	[bflag:$0x2] =	sbarrier.arrive $0xFFFF  }
0x20e: {  	p0 =	sne.s32 s0, $0x0;
	s0 =	rddreg [dreg:$0x4]  }
0x20f: {  	s0 =	sadd.s32 @!p0 $0x100000, s0  }
0x210: {  	[sflag:s0] =	ssyncadd.tile.s32 @!p0 $0x1;
	_ =	shalt  }
.Lfunc_end2:
_tile_overlayer_lowered:
.L_overlay_start_2:
0x211: {  	(tag) =	ssettag $0x2  }
0x212: {  	s0 =	rddreg [dreg:$0x0];
	s2 =	stileid.u32  }
0x213: {  	s1 =	rddreg [dreg:$0x1];
	p0 =	sne.s32 s2, $0x0  }
0x214: {  	s3 =	rddreg [dreg:$0x2];
	[bflag:$0x3] =	sbarrier.arrive $0xFFFF;
	s2 =	simm.s32 @!p0 $0x1C08  }
0x215: {  	[timem:s3], [sflag:s2] =	dma.local @!p0 [hbm:s0], s1  }
0x216: {  	s0 =	simm.s32 @!p0 $0x8  }
0x217: {  	_ =	swait.ge @!p0 [sflag:s0], s1  }
0x218: {  	s1 =	ssub.s32 @!p0 $0x0, s1;
	[sflag:s0] =	ssyncset.done @!p0 $0x0  }
0x219: {  	[sflag:s0] =	ssyncadd.s32 @!p0 s1  }
0x21a: {  	[bflag:$0x3] =	sbarrier.arrive $0xFFFF  }
0x21b: {  	_ =	shalt  }

</sc_bundles>
